<compile_context>
chip_gen: v7x
topology: tpu7x:2x2x1
jax: 0.10.2.dev20260603
libtpu: 0.0.44.dev20260713+nightly
codegen_flags: <defaults>
</compile_context>

<pallas_src>
import functools

import jax
import jax.numpy as jnp
from jax import lax
from jax.experimental import pallas as pl
from jax.experimental.pallas import tpu as pltpu
from jax.experimental.pallas import tpu_sc as plsc

_N = 10000
_E = 320000
_D = 128
_O = 64

_NC = 2
_NS = 16
_CH = 128
_EPT = _E // _NS
_NMAIN = _EPT // _CH
_TAIL = _EPT - _NMAIN * _CH
_NPAD = 10112
_RPT = _NPAD // _NS
_DEGW = 8
_NBUF = 4


def _sc_agg_body(with_deg, *refs):
    if with_deg:
        (y_hbm, edge_hbm, zrow_hbm, zdeg_hbm, ones_hbm, agg_out, deg_out,
         srcv, dstv, rows, rowst, onesv, agg_s, deg_s,
         sem0, sem1, sem2, sem3) = refs
    else:
        (y_hbm, edge_hbm, zrow_hbm, agg_out,
         srcv, dstv, rows, rowst, agg_s, sem0, sem1, sem2, sem3) = refs
    sems = (sem0, sem1, sem2, sem3)

    cid = lax.axis_index("c")
    sid = lax.axis_index("s")

    r0 = sid * _RPT
    pltpu.sync_copy(zrow_hbm.at[pl.ds(r0, _RPT)], agg_s.at[pl.ds(r0, _RPT)])
    if with_deg:
        pltpu.sync_copy(zdeg_hbm.at[pl.ds(r0, _RPT)], deg_s.at[pl.ds(r0, _RPT)])
        pltpu.sync_copy(ones_hbm, onesv)

    e0 = sid * _EPT
    pltpu.sync_copy(edge_hbm.at[0, pl.ds(e0, _EPT)], srcv)
    pltpu.sync_copy(edge_hbm.at[1, pl.ds(e0, _EPT)], dstv)
    plsc.subcore_barrier()

    for b in range(_NBUF):
        pltpu.async_copy(y_hbm.at[cid].at[srcv.at[pl.ds(b * _CH, _CH)]],
                         rows.at[b], sems[b])

    def ring(i, _):
        for b in range(_NBUF):
            c = _NBUF * i + b
            pltpu.make_async_copy(
                y_hbm.at[cid].at[srcv.at[pl.ds(c * _CH, _CH)]],
                rows.at[b], sems[b]).wait()
            pltpu.sync_copy(
                rows.at[b], agg_s.at[dstv.at[pl.ds(c * _CH, _CH)]], add=True)
            if with_deg:
                @pl.when((cid == 0) == (c < _NMAIN // 2))
                def _():
                    pltpu.sync_copy(
                        onesv, deg_s.at[dstv.at[pl.ds(c * _CH, _CH)]], add=True)

            @pl.when(c + _NBUF < _NMAIN)
            def _():
                pltpu.async_copy(
                    y_hbm.at[cid].at[srcv.at[pl.ds((c + _NBUF) * _CH, _CH)]],
                    rows.at[b], sems[b])
        return 0

    lax.fori_loop(0, _NMAIN // _NBUF, ring, 0)

    t0 = _NMAIN * _CH
    pltpu.async_copy(y_hbm.at[cid].at[srcv.at[pl.ds(t0, _TAIL)]],
                     rowst, sems[0]).wait()
    pltpu.sync_copy(rowst, agg_s.at[dstv.at[pl.ds(t0, _TAIL)]], add=True)
    if with_deg:
        @pl.when(cid == 1)
        def _():
            pltpu.sync_copy(onesv.at[pl.ds(0, _TAIL)],
                            deg_s.at[dstv.at[pl.ds(t0, _TAIL)]], add=True)

    plsc.subcore_barrier()
    pltpu.sync_copy(agg_s.at[pl.ds(r0, _RPT)], agg_out.at[cid, pl.ds(r0, _RPT)])
    if with_deg:
        pltpu.sync_copy(deg_s.at[pl.ds(r0, _RPT)],
                        deg_out.at[cid, pl.ds(r0, _RPT)])


def _make_sc_agg(d, with_deg):
    mesh = plsc.VectorSubcoreMesh(core_axis_name="c", subcore_axis_name="s")
    out_type = [jax.ShapeDtypeStruct((_NC, _NPAD, d), jnp.float32)]
    scratch = [
        pltpu.VMEM((_EPT,), jnp.int32),
        pltpu.VMEM((_EPT,), jnp.int32),
        pltpu.VMEM((_NBUF, _CH, d), jnp.float32),
        pltpu.VMEM((_TAIL, d), jnp.float32),
    ]
    if with_deg:
        out_type.append(jax.ShapeDtypeStruct((_NC, _NPAD, _DEGW), jnp.float32))
        scratch.append(pltpu.VMEM((_CH, _DEGW), jnp.float32))
        scratch.append(pltpu.VMEM_SHARED((_NPAD, d), jnp.float32))
        scratch.append(pltpu.VMEM_SHARED((_NPAD, _DEGW), jnp.float32))
    else:
        scratch.append(pltpu.VMEM_SHARED((_NPAD, d), jnp.float32))
    for _ in range(_NBUF):
        scratch.append(pltpu.SemaphoreType.DMA)
    return pl.kernel(
        functools.partial(_sc_agg_body, with_deg),
        out_type=out_type,
        mesh=mesh,
        scratch_types=scratch,
        compiler_params=pltpu.CompilerParams(use_tc_tiling_on_sc=False),
    )


_sc_agg_deg = _make_sc_agg(_D // 2, True)
_sc_agg_only = _make_sc_agg(_O // 2, False)


def _tc1_body(agg_ref, deg_ref, x_ref, w1l_ref, b1_ref, w1r_ref,
              w2l_ref, w2r_ref, y2_ref, r2_ref):
    agg = jnp.concatenate([agg_ref[0], agg_ref[1]], axis=1)
    deg = deg_ref[0, :, 0:1] + deg_ref[1, :, 0:1]
    mean = agg * (1.0 / jnp.maximum(deg, 1.0))
    h = mean @ w1l_ref[...] + b1_ref[...] + x_ref[...] @ w1r_ref[...]
    h = jnp.maximum(h, 0.0)
    y2_ref[0] = h @ w2l_ref[:, : _O // 2]
    y2_ref[1] = h @ w2l_ref[:, _O // 2 :]
    r2_ref[...] = h @ w2r_ref[...]


def _tc2_body(agg_ref, deg_ref, r2_ref, b2_ref, z_ref):
    agg = jnp.concatenate([agg_ref[0], agg_ref[1]], axis=1)
    deg = deg_ref[0, :, 0:1] + deg_ref[1, :, 0:1]
    z_ref[...] = agg * (1.0 / jnp.maximum(deg, 1.0)) + b2_ref[...] + r2_ref[...]


_TC_R = 1000


def _tc1(agg, degp, x, w1l, b1, w1r, w2l, w2r):
    nb = _N // _TC_R
    return pl.pallas_call(
        _tc1_body,
        grid=(nb,),
        in_specs=[
            pl.BlockSpec((_NC, _TC_R, _D // 2), lambda m: (0, m, 0)),
            pl.BlockSpec((_NC, _TC_R, _DEGW), lambda m: (0, m, 0)),
            pl.BlockSpec((_TC_R, _D), lambda m: (m, 0)),
            pl.BlockSpec((_D, _D), lambda m: (0, 0)),
            pl.BlockSpec((1, _D), lambda m: (0, 0)),
            pl.BlockSpec((_D, _D), lambda m: (0, 0)),
            pl.BlockSpec((_D, _O), lambda m: (0, 0)),
            pl.BlockSpec((_D, _O), lambda m: (0, 0)),
        ],
        out_specs=[
            pl.BlockSpec((_NC, _TC_R, _O // 2), lambda m: (0, m, 0)),
            pl.BlockSpec((_TC_R, _O), lambda m: (m, 0)),
        ],
        out_shape=[
            jax.ShapeDtypeStruct((_NC, _N, _O // 2), jnp.float32),
            jax.ShapeDtypeStruct((_N, _O), jnp.float32),
        ],
    )(agg, degp, x, w1l, b1, w1r, w2l, w2r)


def _tc2(agg2, degp, r2, b2):
    nb = _N // _TC_R
    return pl.pallas_call(
        _tc2_body,
        grid=(nb,),
        in_specs=[
            pl.BlockSpec((_NC, _TC_R, _O // 2), lambda m: (0, m, 0)),
            pl.BlockSpec((_NC, _TC_R, _DEGW), lambda m: (0, m, 0)),
            pl.BlockSpec((_TC_R, _O), lambda m: (m, 0)),
            pl.BlockSpec((1, _O), lambda m: (0, 0)),
        ],
        out_specs=pl.BlockSpec((_TC_R, _O), lambda m: (m, 0)),
        out_shape=jax.ShapeDtypeStruct((_N, _O), jnp.float32),
    )(agg2, degp, r2, b2)


def kernel(x, edge_index, W1_l, b1, W1_r, W2_l, b2, W2_r):
    x_split = jnp.stack([x[:, : _D // 2], x[:, _D // 2 :]])
    zrow = jnp.zeros((_NPAD, _D // 2), jnp.float32)
    zdeg = jnp.zeros((_NPAD, _DEGW), jnp.float32)
    zout = jnp.zeros((_NPAD, _O // 2), jnp.float32)
    ones = jnp.ones((_CH, _DEGW), jnp.float32)

    agg1, degp = _sc_agg_deg(x_split, edge_index, zrow, zdeg, ones)
    y2s, r2 = _tc1(agg1, degp, x, W1_l, b1.reshape(1, _D), W1_r, W2_l, W2_r)
    (agg2,) = _sc_agg_only(y2s, edge_index, zout)
    return _tc2(agg2, degp, r2, b2.reshape(1, _O))

# --- scband reference (transcript-rebuilt; emitter-appended) ---
"""Pipeline reference for scband-graph-sagelink-predictor-42176578846858 (READ-ONLY COPY).

The authoritative reference and input builder live on the scoring server;
editing this copy changes nothing except your own understanding.
"""

import jax, jax.numpy as jnp
import numpy as np

N = 10000
E = 320000
D = 128
H = 128
O = 64


def setup_inputs(seed: int = 0) -> dict:
    key = jax.random.key(seed)
    ks = jax.random.split(key, 9)
    x = jax.random.normal(ks[0], (N, D), dtype=jnp.float32)
    edge_index = jax.random.randint(ks[1], (2, E), 0, N)
    s1 = 1.0 / np.sqrt(D)
    s2 = 1.0 / np.sqrt(H)
    W1_l = jax.random.uniform(ks[2], (D, H), dtype=jnp.float32, minval=-s1, maxval=s1)
    b1 = jax.random.uniform(ks[3], (H,), dtype=jnp.float32, minval=-s1, maxval=s1)
    W1_r = jax.random.uniform(ks[4], (D, H), dtype=jnp.float32, minval=-s1, maxval=s1)
    W2_l = jax.random.uniform(ks[5], (H, O), dtype=jnp.float32, minval=-s2, maxval=s2)
    b2 = jax.random.uniform(ks[6], (O,), dtype=jnp.float32, minval=-s2, maxval=s2)
    W2_r = jax.random.uniform(ks[7], (H, O), dtype=jnp.float32, minval=-s2, maxval=s2)
    return {"x": x, "edge_index": edge_index, "W1_l": W1_l, "b1": b1, "W1_r": W1_r,
            "W2_l": W2_l, "b2": b2, "W2_r": W2_r}


def _sage_conv(x, src, dst, W_l, b_l, W_r):
    # PyG SAGEConv (mean aggregation): out = lin_l(mean_j x_j) + lin_r(x_i)
    msg = jnp.take(x, src, axis=0)                      # gather neighbor features
    agg = jax.ops.segment_sum(msg, dst, num_segments=N)  # scatter-add to dst
    deg = jax.ops.segment_sum(jnp.ones((src.shape[0],), dtype=x.dtype), dst, num_segments=N)
    mean = agg / jnp.maximum(deg, 1.0)[:, None]
    return mean @ W_l + b_l + x @ W_r


def reference(x, edge_index, W1_l, b1, W1_r, W2_l, b2, W2_r):
    src = edge_index[0]
    dst = edge_index[1]
    h = _sage_conv(x, src, dst, W1_l, b1, W1_r)
    h = jax.nn.relu(h)
    z = _sage_conv(h, src, dst, W2_l, b2, W2_r)
    return z

if __name__ == "__main__":
    import jax
    _d = setup_inputs()
    print(jax.jit(kernel)(*tuple(_d.values())))

</pallas_src>

<mosaic_0001>
#map = affine_map<(d0, d1) -> (0, 0, 0)>
#map1 = affine_map<(d0, d1) -> (0, 0)>
module attributes {stable_mosaic.version = 14 : i64} {
  func.func @_sc_agg_body(%arg0: i32, %arg1: i32, %arg2: memref<2x10000x64xf32, #tpu.memory_space<hbm>>, %arg3: memref<2x320000xi32, #tpu.memory_space<hbm>>, %arg4: memref<10112x64xf32, #tpu.memory_space<hbm>>, %arg5: memref<10112x8xf32, #tpu.memory_space<hbm>>, %arg6: memref<128x8xf32, #tpu.memory_space<hbm>>, %arg7: memref<2x10112x64xf32, #tpu.memory_space<hbm>>, %arg8: memref<2x10112x8xf32, #tpu.memory_space<hbm>>, %arg9: memref<20000xi32, #tpu.memory_space<vmem>>, %arg10: memref<20000xi32, #tpu.memory_space<vmem>>, %arg11: memref<4x128x64xf32, #tpu.memory_space<vmem>>, %arg12: memref<32x64xf32, #tpu.memory_space<vmem>>, %arg13: memref<128x8xf32, #tpu.memory_space<vmem>>, %arg14: memref<10112x64xf32, #tpu.memory_space<vmem_shared>>, %arg15: memref<10112x8xf32, #tpu.memory_space<vmem_shared>>, %arg16: memref<!tpu.dma_semaphore, #tpu.memory_space<semaphore_mem>>, %arg17: memref<!tpu.dma_semaphore, #tpu.memory_space<semaphore_mem>>, %arg18: memref<!tpu.dma_semaphore, #tpu.memory_space<semaphore_mem>>, %arg19: memref<!tpu.dma_semaphore, #tpu.memory_space<semaphore_mem>>) attributes {dimension_semantics = [#tpu.dimension_semantics<core_parallel>, #tpu.dimension_semantics<subcore_parallel>], iteration_bounds = array<i64: 2, 16>, scalar_prefetch = 0 : i64, scratch_operands = 11 : i64, tpu.core_type = #tpu.core_type<sc_vector_subcore>, window_params = [{transform_indices = #map}, {transform_indices = #map1}, {transform_indices = #map1}, {transform_indices = #map1}, {transform_indices = #map1}, {transform_indices = #map}, {transform_indices = #map}]} {
    %mul3A = arith.constant 632 : i32
    %mul3A_0 = arith.muli %arg1, %mul3A : i32
    "tpu.region"() ({
      %run_scoped3A_85 = tpu.sem_alloc : memref<!tpu.dma_semaphore, #tpu.memory_space<semaphore_mem>>
      %dma_start3A_86 = arith.constant 0 : i32
      %dma_start3A_87 = tpu.memref_slice %arg14[%mul3A_0, %dma_start3A_86] : memref<10112x64xf32, #tpu.memory_space<vmem_shared>> -> memref<632x64xf32, #tpu.memory_space<vmem_shared>>
      %dma_start3A_88 = arith.constant 0 : i32
      %dma_start3A_89 = tpu.memref_slice %arg4[%mul3A_0, %dma_start3A_88] : memref<10112x64xf32, #tpu.memory_space<hbm>> -> memref<632x64xf32, #tpu.memory_space<hbm>>
      tpu.enqueue_dma source(%dma_start3A_89 : memref<632x64xf32, #tpu.memory_space<hbm>>) target(%dma_start3A_87 : memref<632x64xf32, #tpu.memory_space<vmem_shared>>) target_semaphore(%run_scoped3A_85 : memref<!tpu.dma_semaphore, #tpu.memory_space<semaphore_mem>>)
      %dma_wait3A_90 = arith.constant 0 : i32
      %dma_wait3A_91 = tpu.memref_slice %arg14[%mul3A_0, %dma_wait3A_90] : memref<10112x64xf32, #tpu.memory_space<vmem_shared>> -> memref<632x64xf32, #tpu.memory_space<vmem_shared>>
      %dma_wait3A_92 = arith.constant 0 : i32
      %dma_wait3A_93 = tpu.memref_slice %arg4[%mul3A_0, %dma_wait3A_92] : memref<10112x64xf32, #tpu.memory_space<hbm>> -> memref<632x64xf32, #tpu.memory_space<hbm>>
      tpu.wait_dma2 semaphore(%run_scoped3A_85 : memref<!tpu.dma_semaphore, #tpu.memory_space<semaphore_mem>>) src(%dma_wait3A_93 : memref<632x64xf32, #tpu.memory_space<hbm>>) dst(%dma_wait3A_91 : memref<632x64xf32, #tpu.memory_space<vmem_shared>>)
      tpu.yield
    }) : () -> ()
    "tpu.region"() ({
      %run_scoped3A_85 = tpu.sem_alloc : memref<!tpu.dma_semaphore, #tpu.memory_space<semaphore_mem>>
      %dma_start3A_86 = arith.constant 0 : i32
      %dma_start3A_87 = tpu.memref_slice %arg15[%mul3A_0, %dma_start3A_86] : memref<10112x8xf32, #tpu.memory_space<vmem_shared>> -> memref<632x8xf32, #tpu.memory_space<vmem_shared>>
      %dma_start3A_88 = arith.constant 0 : i32
      %dma_start3A_89 = tpu.memref_slice %arg5[%mul3A_0, %dma_start3A_88] : memref<10112x8xf32, #tpu.memory_space<hbm>> -> memref<632x8xf32, #tpu.memory_space<hbm>>
      tpu.enqueue_dma source(%dma_start3A_89 : memref<632x8xf32, #tpu.memory_space<hbm>>) target(%dma_start3A_87 : memref<632x8xf32, #tpu.memory_space<vmem_shared>>) target_semaphore(%run_scoped3A_85 : memref<!tpu.dma_semaphore, #tpu.memory_space<semaphore_mem>>)
      %dma_wait3A_90 = arith.constant 0 : i32
      %dma_wait3A_91 = tpu.memref_slice %arg15[%mul3A_0, %dma_wait3A_90] : memref<10112x8xf32, #tpu.memory_space<vmem_shared>> -> memref<632x8xf32, #tpu.memory_space<vmem_shared>>
      %dma_wait3A_92 = arith.constant 0 : i32
      %dma_wait3A_93 = tpu.memref_slice %arg5[%mul3A_0, %dma_wait3A_92] : memref<10112x8xf32, #tpu.memory_space<hbm>> -> memref<632x8xf32, #tpu.memory_space<hbm>>
      tpu.wait_dma2 semaphore(%run_scoped3A_85 : memref<!tpu.dma_semaphore, #tpu.memory_space<semaphore_mem>>) src(%dma_wait3A_93 : memref<632x8xf32, #tpu.memory_space<hbm>>) dst(%dma_wait3A_91 : memref<632x8xf32, #tpu.memory_space<vmem_shared>>)
      tpu.yield
    }) : () -> ()
    "tpu.region"() ({
      %run_scoped3A_85 = tpu.sem_alloc : memref<!tpu.dma_semaphore, #tpu.memory_space<semaphore_mem>>
      tpu.enqueue_dma source(%arg6 : memref<128x8xf32, #tpu.memory_space<hbm>>) target(%arg13 : memref<128x8xf32, #tpu.memory_space<vmem>>) target_semaphore(%run_scoped3A_85 : memref<!tpu.dma_semaphore, #tpu.memory_space<semaphore_mem>>)
      tpu.wait_dma2 semaphore(%run_scoped3A_85 : memref<!tpu.dma_semaphore, #tpu.memory_space<semaphore_mem>>) src(%arg6 : memref<128x8xf32, #tpu.memory_space<hbm>>) dst(%arg13 : memref<128x8xf32, #tpu.memory_space<vmem>>)
      tpu.yield
    }) : () -> ()
    %mul3A_1 = arith.constant 20000 : i32
    %mul3A_2 = arith.muli %arg1, %mul3A_1 : i32
    %run_scoped3A = arith.constant 0 : i32
    "tpu.region"() ({
      %run_scoped3A_85 = tpu.sem_alloc : memref<!tpu.dma_semaphore, #tpu.memory_space<semaphore_mem>>
      %dma_start3A_86 = tpu.memref_slice %arg3[%run_scoped3A, %mul3A_2] : memref<2x320000xi32, #tpu.memory_space<hbm>> -> memref<1x20000xi32, #tpu.memory_space<hbm>>
      %dma_start3A_87 = tpu.memref_squeeze %dma_start3A_86 : memref<1x20000xi32, #tpu.memory_space<hbm>> -> memref<20000xi32, #tpu.memory_space<hbm>>
      %dma_start3A_88 = tpu.memref_slice %arg3[%run_scoped3A, %mul3A_2] : memref<2x320000xi32, #tpu.memory_space<hbm>> -> memref<1x20000xi32, #tpu.memory_space<hbm>>
      %dma_start3A_89 = tpu.memref_squeeze %dma_start3A_88 : memref<1x20000xi32, #tpu.memory_space<hbm>> -> memref<20000xi32, #tpu.memory_space<hbm>>
      tpu.enqueue_dma source(%dma_start3A_89 : memref<20000xi32, #tpu.memory_space<hbm>>) target(%arg9 : memref<20000xi32, #tpu.memory_space<vmem>>) target_semaphore(%run_scoped3A_85 : memref<!tpu.dma_semaphore, #tpu.memory_space<semaphore_mem>>)
      %dma_wait3A_90 = tpu.memref_slice %arg3[%run_scoped3A, %mul3A_2] : memref<2x320000xi32, #tpu.memory_space<hbm>> -> memref<1x20000xi32, #tpu.memory_space<hbm>>
      %dma_wait3A_91 = tpu.memref_squeeze %dma_wait3A_90 : memref<1x20000xi32, #tpu.memory_space<hbm>> -> memref<20000xi32, #tpu.memory_space<hbm>>
      %dma_wait3A_92 = tpu.memref_slice %arg3[%run_scoped3A, %mul3A_2] : memref<2x320000xi32, #tpu.memory_space<hbm>> -> memref<1x20000xi32, #tpu.memory_space<hbm>>
      %dma_wait3A_93 = tpu.memref_squeeze %dma_wait3A_92 : memref<1x20000xi32, #tpu.memory_space<hbm>> -> memref<20000xi32, #tpu.memory_space<hbm>>
      tpu.wait_dma2 semaphore(%run_scoped3A_85 : memref<!tpu.dma_semaphore, #tpu.memory_space<semaphore_mem>>) src(%dma_wait3A_93 : memref<20000xi32, #tpu.memory_space<hbm>>) dst(%arg9 : memref<20000xi32, #tpu.memory_space<vmem>>)
      tpu.yield
    }) : () -> ()
    %run_scoped3A_3 = arith.constant 1 : i32
    "tpu.region"() ({
      %run_scoped3A_85 = tpu.sem_alloc : memref<!tpu.dma_semaphore, #tpu.memory_space<semaphore_mem>>
      %dma_start3A_86 = tpu.memref_slice %arg3[%run_scoped3A_3, %mul3A_2] : memref<2x320000xi32, #tpu.memory_space<hbm>> -> memref<1x20000xi32, #tpu.memory_space<hbm>>
      %dma_start3A_87 = tpu.memref_squeeze %dma_start3A_86 : memref<1x20000xi32, #tpu.memory_space<hbm>> -> memref<20000xi32, #tpu.memory_space<hbm>>
      %dma_start3A_88 = tpu.memref_slice %arg3[%run_scoped3A_3, %mul3A_2] : memref<2x320000xi32, #tpu.memory_space<hbm>> -> memref<1x20000xi32, #tpu.memory_space<hbm>>
      %dma_start3A_89 = tpu.memref_squeeze %dma_start3A_88 : memref<1x20000xi32, #tpu.memory_space<hbm>> -> memref<20000xi32, #tpu.memory_space<hbm>>
      tpu.enqueue_dma source(%dma_start3A_89 : memref<20000xi32, #tpu.memory_space<hbm>>) target(%arg10 : memref<20000xi32, #tpu.memory_space<vmem>>) target_semaphore(%run_scoped3A_85 : memref<!tpu.dma_semaphore, #tpu.memory_space<semaphore_mem>>)
      %dma_wait3A_90 = tpu.memref_slice %arg3[%run_scoped3A_3, %mul3A_2] : memref<2x320000xi32, #tpu.memory_space<hbm>> -> memref<1x20000xi32, #tpu.memory_space<hbm>>
      %dma_wait3A_91 = tpu.memref_squeeze %dma_wait3A_90 : memref<1x20000xi32, #tpu.memory_space<hbm>> -> memref<20000xi32, #tpu.memory_space<hbm>>
      %dma_wait3A_92 = tpu.memref_slice %arg3[%run_scoped3A_3, %mul3A_2] : memref<2x320000xi32, #tpu.memory_space<hbm>> -> memref<1x20000xi32, #tpu.memory_space<hbm>>
      %dma_wait3A_93 = tpu.memref_squeeze %dma_wait3A_92 : memref<1x20000xi32, #tpu.memory_space<hbm>> -> memref<20000xi32, #tpu.memory_space<hbm>>
      tpu.wait_dma2 semaphore(%run_scoped3A_85 : memref<!tpu.dma_semaphore, #tpu.memory_space<semaphore_mem>>) src(%dma_wait3A_93 : memref<20000xi32, #tpu.memory_space<hbm>>) dst(%arg10 : memref<20000xi32, #tpu.memory_space<vmem>>)
      tpu.yield
    }) : () -> ()
    %barrier3A = arith.constant 0 : index
    tpu.barrier barrier_id(%barrier3A)
    %dma_start3A = arith.constant 0 : i32
    %dma_start3A_4 = arith.constant 0 : i32
    %dma_start3A_5 = arith.constant 0 : i32
    %dma_start3A_6 = tpu.memref_slice %arg11[%dma_start3A, %dma_start3A_4, %dma_start3A_5] : memref<4x128x64xf32, #tpu.memory_space<vmem>> -> memref<1x128x64xf32, #tpu.memory_space<vmem>>
    %dma_start3A_7 = tpu.memref_squeeze %dma_start3A_6 : memref<1x128x64xf32, #tpu.memory_space<vmem>> -> memref<128x64xf32, #tpu.memory_space<vmem>>
    %dma_start3A_8 = arith.constant 0 : i32
    %dma_start3A_9 = tpu.memref_slice %arg9[%dma_start3A_8] : memref<20000xi32, #tpu.memory_space<vmem>> -> memref<128xi32, #tpu.memory_space<vmem>>
    %dma_start3A_10 = arith.constant 0 : i32
    %dma_start3A_11 = arith.constant 0 : i32
    %dma_start3A_12 = tpu.memref_slice %arg2[%arg0, %dma_start3A_10, %dma_start3A_11] : memref<2x10000x64xf32, #tpu.memory_space<hbm>> -> memref<1x10000x64xf32, #tpu.memory_space<hbm>>
    %dma_start3A_13 = tpu.memref_squeeze %dma_start3A_12 : memref<1x10000x64xf32, #tpu.memory_space<hbm>> -> memref<10000x64xf32, #tpu.memory_space<hbm>>
    %dma_start3A_14 = arith.constant 0 : i32
    %dma_start3A_15 = arith.constant 0 : i32
    %dma_start3A_16 = tpu.memref_slice %dma_start3A_13[%dma_start3A_14, %dma_start3A_15] : memref<10000x64xf32, #tpu.memory_space<hbm>> -> memref<10000x64xf32, #tpu.memory_space<hbm>>
    tpu.enqueue_indirect_dma source(%dma_start3A_16 : memref<10000x64xf32, #tpu.memory_space<hbm>>) target(%dma_start3A_7 : memref<128x64xf32, #tpu.memory_space<vmem>>) offsets(%dma_start3A_9 : memref<128xi32, #tpu.memory_space<vmem>>) semaphore(%arg16 : memref<!tpu.dma_semaphore, #tpu.memory_space<semaphore_mem>>)
    %dma_start3A_17 = arith.constant 1 : i32
    %dma_start3A_18 = arith.constant 0 : i32
    %dma_start3A_19 = arith.constant 0 : i32
    %dma_start3A_20 = tpu.memref_slice %arg11[%dma_start3A_17, %dma_start3A_18, %dma_start3A_19] : memref<4x128x64xf32, #tpu.memory_space<vmem>> -> memref<1x128x64xf32, #tpu.memory_space<vmem>>
    %dma_start3A_21 = tpu.memref_squeeze %dma_start3A_20 : memref<1x128x64xf32, #tpu.memory_space<vmem>> -> memref<128x64xf32, #tpu.memory_space<vmem>>
    %dma_start3A_22 = arith.constant 128 : i32
    %dma_start3A_23 = tpu.memref_slice %arg9[%dma_start3A_22] : memref<20000xi32, #tpu.memory_space<vmem>> -> memref<128xi32, #tpu.memory_space<vmem>>
    %dma_start3A_24 = arith.constant 0 : i32
    %dma_start3A_25 = arith.constant 0 : i32
    %dma_start3A_26 = tpu.memref_slice %arg2[%arg0, %dma_start3A_24, %dma_start3A_25] : memref<2x10000x64xf32, #tpu.memory_space<hbm>> -> memref<1x10000x64xf32, #tpu.memory_space<hbm>>
    %dma_start3A_27 = tpu.memref_squeeze %dma_start3A_26 : memref<1x10000x64xf32, #tpu.memory_space<hbm>> -> memref<10000x64xf32, #tpu.memory_space<hbm>>
    %dma_start3A_28 = arith.constant 0 : i32
    %dma_start3A_29 = arith.constant 0 : i32
    %dma_start3A_30 = tpu.memref_slice %dma_start3A_27[%dma_start3A_28, %dma_start3A_29] : memref<10000x64xf32, #tpu.memory_space<hbm>> -> memref<10000x64xf32, #tpu.memory_space<hbm>>
    tpu.enqueue_indirect_dma source(%dma_start3A_30 : memref<10000x64xf32, #tpu.memory_space<hbm>>) target(%dma_start3A_21 : memref<128x64xf32, #tpu.memory_space<vmem>>) offsets(%dma_start3A_23 : memref<128xi32, #tpu.memory_space<vmem>>) semaphore(%arg17 : memref<!tpu.dma_semaphore, #tpu.memory_space<semaphore_mem>>)
    %dma_start3A_31 = arith.constant 2 : i32
    %dma_start3A_32 = arith.constant 0 : i32
    %dma_start3A_33 = arith.constant 0 : i32
    %dma_start3A_34 = tpu.memref_slice %arg11[%dma_start3A_31, %dma_start3A_32, %dma_start3A_33] : memref<4x128x64xf32, #tpu.memory_space<vmem>> -> memref<1x128x64xf32, #tpu.memory_space<vmem>>
    %dma_start3A_35 = tpu.memref_squeeze %dma_start3A_34 : memref<1x128x64xf32, #tpu.memory_space<vmem>> -> memref<128x64xf32, #tpu.memory_space<vmem>>
    %dma_start3A_36 = arith.constant 256 : i32
    %dma_start3A_37 = tpu.memref_slice %arg9[%dma_start3A_36] : memref<20000xi32, #tpu.memory_space<vmem>> -> memref<128xi32, #tpu.memory_space<vmem>>
    %dma_start3A_38 = arith.constant 0 : i32
    %dma_start3A_39 = arith.constant 0 : i32
    %dma_start3A_40 = tpu.memref_slice %arg2[%arg0, %dma_start3A_38, %dma_start3A_39] : memref<2x10000x64xf32, #tpu.memory_space<hbm>> -> memref<1x10000x64xf32, #tpu.memory_space<hbm>>
    %dma_start3A_41 = tpu.memref_squeeze %dma_start3A_40 : memref<1x10000x64xf32, #tpu.memory_space<hbm>> -> memref<10000x64xf32, #tpu.memory_space<hbm>>
    %dma_start3A_42 = arith.constant 0 : i32
    %dma_start3A_43 = arith.constant 0 : i32
    %dma_start3A_44 = tpu.memref_slice %dma_start3A_41[%dma_start3A_42, %dma_start3A_43] : memref<10000x64xf32, #tpu.memory_space<hbm>> -> memref<10000x64xf32, #tpu.memory_space<hbm>>
    tpu.enqueue_indirect_dma source(%dma_start3A_44 : memref<10000x64xf32, #tpu.memory_space<hbm>>) target(%dma_start3A_35 : memref<128x64xf32, #tpu.memory_space<vmem>>) offsets(%dma_start3A_37 : memref<128xi32, #tpu.memory_space<vmem>>) semaphore(%arg18 : memref<!tpu.dma_semaphore, #tpu.memory_space<semaphore_mem>>)
    %dma_start3A_45 = arith.constant 3 : i32
    %dma_start3A_46 = arith.constant 0 : i32
    %dma_start3A_47 = arith.constant 0 : i32
    %dma_start3A_48 = tpu.memref_slice %arg11[%dma_start3A_45, %dma_start3A_46, %dma_start3A_47] : memref<4x128x64xf32, #tpu.memory_space<vmem>> -> memref<1x128x64xf32, #tpu.memory_space<vmem>>
    %dma_start3A_49 = tpu.memref_squeeze %dma_start3A_48 : memref<1x128x64xf32, #tpu.memory_space<vmem>> -> memref<128x64xf32, #tpu.memory_space<vmem>>
    %dma_start3A_50 = arith.constant 384 : i32
    %dma_start3A_51 = tpu.memref_slice %arg9[%dma_start3A_50] : memref<20000xi32, #tpu.memory_space<vmem>> -> memref<128xi32, #tpu.memory_space<vmem>>
    %dma_start3A_52 = arith.constant 0 : i32
    %dma_start3A_53 = arith.constant 0 : i32
    %dma_start3A_54 = tpu.memref_slice %arg2[%arg0, %dma_start3A_52, %dma_start3A_53] : memref<2x10000x64xf32, #tpu.memory_space<hbm>> -> memref<1x10000x64xf32, #tpu.memory_space<hbm>>
    %dma_start3A_55 = tpu.memref_squeeze %dma_start3A_54 : memref<1x10000x64xf32, #tpu.memory_space<hbm>> -> memref<10000x64xf32, #tpu.memory_space<hbm>>
    %dma_start3A_56 = arith.constant 0 : i32
    %dma_start3A_57 = arith.constant 0 : i32
    %dma_start3A_58 = tpu.memref_slice %dma_start3A_55[%dma_start3A_56, %dma_start3A_57] : memref<10000x64xf32, #tpu.memory_space<hbm>> -> memref<10000x64xf32, #tpu.memory_space<hbm>>
    tpu.enqueue_indirect_dma source(%dma_start3A_58 : memref<10000x64xf32, #tpu.memory_space<hbm>>) target(%dma_start3A_49 : memref<128x64xf32, #tpu.memory_space<vmem>>) offsets(%dma_start3A_51 : memref<128xi32, #tpu.memory_space<vmem>>) semaphore(%arg19 : memref<!tpu.dma_semaphore, #tpu.memory_space<semaphore_mem>>)
    %scan3A = arith.constant 0 : i32
    %scan3A_59 = arith.constant 0 : i32
    %scan3A_60 = arith.constant 39 : i32
    %scan3A_61 = arith.addi %scan3A_59, %scan3A_60 : i32
    %scan3A_62 = arith.constant 1 : i32
    %scan3A_63 = scf.for %scan3A_85 = %scan3A_59 to %scan3A_61 step %scan3A_62 iter_args(%scan3A_86 = %scan3A) -> (i32)  : i32 {
      %mul3A_87 = arith.constant 4 : i32
      %mul3A_88 = arith.muli %mul3A_87, %scan3A_85 : i32
      %add3A = arith.constant 0 : i32
      %add3A_89 = arith.addi %mul3A_88, %add3A : i32
      %mul3A_90 = arith.constant 128 : i32
      %mul3A_91 = arith.muli %add3A_89, %mul3A_90 : i32
      %dma_wait3A_92 = arith.constant 0 : i32
      %dma_wait3A_93 = arith.constant 0 : i32
      %dma_wait3A_94 = arith.constant 0 : i32
      %dma_wait3A_95 = tpu.memref_slice %arg11[%dma_wait3A_92, %dma_wait3A_93, %dma_wait3A_94] : memref<4x128x64xf32, #tpu.memory_space<vmem>> -> memref<1x128x64xf32, #tpu.memory_space<vmem>>
      %dma_wait3A_96 = tpu.memref_squeeze %dma_wait3A_95 : memref<1x128x64xf32, #tpu.memory_space<vmem>> -> memref<128x64xf32, #tpu.memory_space<vmem>>
      %dma_wait3A_97 = tpu.memref_slice %arg9[%mul3A_91] : memref<20000xi32, #tpu.memory_space<vmem>> -> memref<128xi32, #tpu.memory_space<vmem>>
      %dma_wait3A_98 = arith.constant 0 : i32
      %dma_wait3A_99 = arith.constant 0 : i32
      %dma_wait3A_100 = tpu.memref_slice %arg2[%arg0, %dma_wait3A_98, %dma_wait3A_99] : memref<2x10000x64xf32, #tpu.memory_space<hbm>> -> memref<1x10000x64xf32, #tpu.memory_space<hbm>>
      %dma_wait3A_101 = tpu.memref_squeeze %dma_wait3A_100 : memref<1x10000x64xf32, #tpu.memory_space<hbm>> -> memref<10000x64xf32, #tpu.memory_space<hbm>>
      %dma_wait3A_102 = arith.constant 0 : i32
      %dma_wait3A_103 = arith.constant 0 : i32
      %dma_wait3A_104 = tpu.memref_slice %dma_wait3A_101[%dma_wait3A_102, %dma_wait3A_103] : memref<10000x64xf32, #tpu.memory_space<hbm>> -> memref<10000x64xf32, #tpu.memory_space<hbm>>
      tpu.wait_indirect_dma semaphore(%arg16 : memref<!tpu.dma_semaphore, #tpu.memory_space<semaphore_mem>>) src(%dma_wait3A_104 : memref<10000x64xf32, #tpu.memory_space<hbm>>) dst(%dma_wait3A_96 : memref<128x64xf32, #tpu.memory_space<vmem>>)
      %mul3A_105 = arith.constant 128 : i32
      %mul3A_106 = arith.muli %add3A_89, %mul3A_105 : i32
      %run_scoped3A_107 = arith.constant 0 : i32
      "tpu.region"() ({
        %run_scoped3A_242 = tpu.sem_alloc : memref<!tpu.dma_semaphore, #tpu.memory_space<semaphore_mem>>
        %dma_start3A_243 = arith.constant 0 : i32
        %dma_start3A_244 = arith.constant 0 : i32
        %dma_start3A_245 = tpu.memref_slice %arg11[%run_scoped3A_107, %dma_start3A_243, %dma_start3A_244] : memref<4x128x64xf32, #tpu.memory_space<vmem>> -> memref<1x128x64xf32, #tpu.memory_space<vmem>>
        %dma_start3A_246 = tpu.memref_squeeze %dma_start3A_245 : memref<1x128x64xf32, #tpu.memory_space<vmem>> -> memref<128x64xf32, #tpu.memory_space<vmem>>
        %dma_start3A_247 = tpu.memref_slice %arg10[%mul3A_106] : memref<20000xi32, #tpu.memory_space<vmem>> -> memref<128xi32, #tpu.memory_space<vmem>>
        %dma_start3A_248 = arith.constant 0 : i32
        %dma_start3A_249 = arith.constant 0 : i32
        %dma_start3A_250 = tpu.memref_slice %arg14[%dma_start3A_248, %dma_start3A_249] : memref<10112x64xf32, #tpu.memory_space<vmem_shared>> -> memref<10112x64xf32, #tpu.memory_space<vmem_shared>>
        tpu.enqueue_indirect_dma source(%dma_start3A_246 : memref<128x64xf32, #tpu.memory_space<vmem>>) target(%dma_start3A_250 : memref<10112x64xf32, #tpu.memory_space<vmem_shared>>) offsets(%dma_start3A_247 : memref<128xi32, #tpu.memory_space<vmem>>) semaphore(%run_scoped3A_242 : memref<!tpu.dma_semaphore, #tpu.memory_space<semaphore_mem>>) {add = true}
        %dma_wait3A_251 = arith.constant 0 : i32
        %dma_wait3A_252 = arith.constant 0 : i32
        %dma_wait3A_253 = tpu.memref_slice %arg11[%run_scoped3A_107, %dma_wait3A_251, %dma_wait3A_252] : memref<4x128x64xf32, #tpu.memory_space<vmem>> -> memref<1x128x64xf32, #tpu.memory_space<vmem>>
        %dma_wait3A_254 = tpu.memref_squeeze %dma_wait3A_253 : memref<1x128x64xf32, #tpu.memory_space<vmem>> -> memref<128x64xf32, #tpu.memory_space<vmem>>
        %dma_wait3A_255 = tpu.memref_slice %arg10[%mul3A_106] : memref<20000xi32, #tpu.memory_space<vmem>> -> memref<128xi32, #tpu.memory_space<vmem>>
        %dma_wait3A_256 = arith.constant 0 : i32
        %dma_wait3A_257 = arith.constant 0 : i32
        %dma_wait3A_258 = tpu.memref_slice %arg14[%dma_wait3A_256, %dma_wait3A_257] : memref<10112x64xf32, #tpu.memory_space<vmem_shared>> -> memref<10112x64xf32, #tpu.memory_space<vmem_shared>>
        tpu.wait_indirect_dma semaphore(%run_scoped3A_242 : memref<!tpu.dma_semaphore, #tpu.memory_space<semaphore_mem>>) src(%dma_wait3A_254 : memref<128x64xf32, #tpu.memory_space<vmem>>) dst(%dma_wait3A_258 : memref<10112x64xf32, #tpu.memory_space<vmem_shared>>)
        tpu.yield
      }) : () -> ()
      %eq3A_108 = arith.constant 0 : i32
      %eq3A_109 = arith.cmpi eq, %arg0, %eq3A_108 : i32
      %lt3A = arith.constant 78 : i32
      %lt3A_110 = arith.cmpi slt, %add3A_89, %lt3A : i32
      %eq3A_111 = arith.xori %eq3A_109, %lt3A_110 : i1
      %eq3A_112 = arith.constant true
      %eq3A_113 = arith.xori %eq3A_111, %eq3A_112 : i1
      %convert_element_type3A_114 = arith.extui %eq3A_113 : i1 to i32
      %cond3A_115 = arith.constant 0 : i32
      %cond3A_116 = arith.cmpi ne, %convert_element_type3A_114, %cond3A_115 : i32
      scf.if %cond3A_116 {
        %mul3A_242 = arith.constant 128 : i32
        %mul3A_243 = arith.muli %add3A_89, %mul3A_242 : i32
        "tpu.region"() ({
          %run_scoped3A_244 = tpu.sem_alloc : memref<!tpu.dma_semaphore, #tpu.memory_space<semaphore_mem>>
          %dma_start3A_245 = tpu.memref_slice %arg10[%mul3A_243] : memref<20000xi32, #tpu.memory_space<vmem>> -> memref<128xi32, #tpu.memory_space<vmem>>
          %dma_start3A_246 = arith.constant 0 : i32
          %dma_start3A_247 = arith.constant 0 : i32
          %dma_start3A_248 = tpu.memref_slice %arg15[%dma_start3A_246, %dma_start3A_247] : memref<10112x8xf32, #tpu.memory_space<vmem_shared>> -> memref<10112x8xf32, #tpu.memory_space<vmem_shared>>
          tpu.enqueue_indirect_dma source(%arg13 : memref<128x8xf32, #tpu.memory_space<vmem>>) target(%dma_start3A_248 : memref<10112x8xf32, #tpu.memory_space<vmem_shared>>) offsets(%dma_start3A_245 : memref<128xi32, #tpu.memory_space<vmem>>) semaphore(%run_scoped3A_244 : memref<!tpu.dma_semaphore, #tpu.memory_space<semaphore_mem>>) {add = true}
          %dma_wait3A_249 = tpu.memref_slice %arg10[%mul3A_243] : memref<20000xi32, #tpu.memory_space<vmem>> -> memref<128xi32, #tpu.memory_space<vmem>>
          %dma_wait3A_250 = arith.constant 0 : i32
          %dma_wait3A_251 = arith.constant 0 : i32
          %dma_wait3A_252 = tpu.memref_slice %arg15[%dma_wait3A_250, %dma_wait3A_251] : memref<10112x8xf32, #tpu.memory_space<vmem_shared>> -> memref<10112x8xf32, #tpu.memory_space<vmem_shared>>
          tpu.wait_indirect_dma semaphore(%run_scoped3A_244 : memref<!tpu.dma_semaphore, #tpu.memory_space<semaphore_mem>>) src(%arg13 : memref<128x8xf32, #tpu.memory_space<vmem>>) dst(%dma_wait3A_252 : memref<10112x8xf32, #tpu.memory_space<vmem_shared>>)
          tpu.yield
        }) : () -> ()
      } else {
      }
      %add3A_117 = arith.constant 4 : i32
      %add3A_118 = arith.addi %add3A_89, %add3A_117 : i32
      %lt3A_119 = arith.constant 156 : i32
      %lt3A_120 = arith.cmpi slt, %add3A_118, %lt3A_119 : i32
      %convert_element_type3A_121 = arith.extui %lt3A_120 : i1 to i32
      %cond3A_122 = arith.constant 0 : i32
      %cond3A_123 = arith.cmpi ne, %convert_element_type3A_121, %cond3A_122 : i32
      scf.if %cond3A_123 {
        %add3A_242 = arith.constant 4 : i32
        %add3A_243 = arith.addi %add3A_89, %add3A_242 : i32
        %mul3A_244 = arith.constant 128 : i32
        %mul3A_245 = arith.muli %add3A_243, %mul3A_244 : i32
        %dma_start3A_246 = arith.constant 0 : i32
        %dma_start3A_247 = arith.constant 0 : i32
        %dma_start3A_248 = arith.constant 0 : i32
        %dma_start3A_249 = tpu.memref_slice %arg11[%dma_start3A_246, %dma_start3A_247, %dma_start3A_248] : memref<4x128x64xf32, #tpu.memory_space<vmem>> -> memref<1x128x64xf32, #tpu.memory_space<vmem>>
        %dma_start3A_250 = tpu.memref_squeeze %dma_start3A_249 : memref<1x128x64xf32, #tpu.memory_space<vmem>> -> memref<128x64xf32, #tpu.memory_space<vmem>>
        %dma_start3A_251 = tpu.memref_slice %arg9[%mul3A_245] : memref<20000xi32, #tpu.memory_space<vmem>> -> memref<128xi32, #tpu.memory_space<vmem>>
        %dma_start3A_252 = arith.constant 0 : i32
        %dma_start3A_253 = arith.constant 0 : i32
        %dma_start3A_254 = tpu.memref_slice %arg2[%arg0, %dma_start3A_252, %dma_start3A_253] : memref<2x10000x64xf32, #tpu.memory_space<hbm>> -> memref<1x10000x64xf32, #tpu.memory_space<hbm>>
        %dma_start3A_255 = tpu.memref_squeeze %dma_start3A_254 : memref<1x10000x64xf32, #tpu.memory_space<hbm>> -> memref<10000x64xf32, #tpu.memory_space<hbm>>
        %dma_start3A_256 = arith.constant 0 : i32
        %dma_start3A_257 = arith.constant 0 : i32
        %dma_start3A_258 = tpu.memref_slice %dma_start3A_255[%dma_start3A_256, %dma_start3A_257] : memref<10000x64xf32, #tpu.memory_space<hbm>> -> memref<10000x64xf32, #tpu.memory_space<hbm>>
        tpu.enqueue_indirect_dma source(%dma_start3A_258 : memref<10000x64xf32, #tpu.memory_space<hbm>>) target(%dma_start3A_250 : memref<128x64xf32, #tpu.memory_space<vmem>>) offsets(%dma_start3A_251 : memref<128xi32, #tpu.memory_space<vmem>>) semaphore(%arg16 : memref<!tpu.dma_semaphore, #tpu.memory_space<semaphore_mem>>)
      } else {
      }
      %mul3A_124 = arith.constant 4 : i32
      %mul3A_125 = arith.muli %mul3A_124, %scan3A_85 : i32
      %add3A_126 = arith.constant 1 : i32
      %add3A_127 = arith.addi %mul3A_125, %add3A_126 : i32
      %mul3A_128 = arith.constant 128 : i32
      %mul3A_129 = arith.muli %add3A_127, %mul3A_128 : i32
      %dma_wait3A_130 = arith.constant 1 : i32
      %dma_wait3A_131 = arith.constant 0 : i32
      %dma_wait3A_132 = arith.constant 0 : i32
      %dma_wait3A_133 = tpu.memref_slice %arg11[%dma_wait3A_130, %dma_wait3A_131, %dma_wait3A_132] : memref<4x128x64xf32, #tpu.memory_space<vmem>> -> memref<1x128x64xf32, #tpu.memory_space<vmem>>
      %dma_wait3A_134 = tpu.memref_squeeze %dma_wait3A_133 : memref<1x128x64xf32, #tpu.memory_space<vmem>> -> memref<128x64xf32, #tpu.memory_space<vmem>>
      %dma_wait3A_135 = tpu.memref_slice %arg9[%mul3A_129] : memref<20000xi32, #tpu.memory_space<vmem>> -> memref<128xi32, #tpu.memory_space<vmem>>
      %dma_wait3A_136 = arith.constant 0 : i32
      %dma_wait3A_137 = arith.constant 0 : i32
      %dma_wait3A_138 = tpu.memref_slice %arg2[%arg0, %dma_wait3A_136, %dma_wait3A_137] : memref<2x10000x64xf32, #tpu.memory_space<hbm>> -> memref<1x10000x64xf32, #tpu.memory_space<hbm>>
      %dma_wait3A_139 = tpu.memref_squeeze %dma_wait3A_138 : memref<1x10000x64xf32, #tpu.memory_space<hbm>> -> memref<10000x64xf32, #tpu.memory_space<hbm>>
      %dma_wait3A_140 = arith.constant 0 : i32
      %dma_wait3A_141 = arith.constant 0 : i32
      %dma_wait3A_142 = tpu.memref_slice %dma_wait3A_139[%dma_wait3A_140, %dma_wait3A_141] : memref<10000x64xf32, #tpu.memory_space<hbm>> -> memref<10000x64xf32, #tpu.memory_space<hbm>>
      tpu.wait_indirect_dma semaphore(%arg17 : memref<!tpu.dma_semaphore, #tpu.memory_space<semaphore_mem>>) src(%dma_wait3A_142 : memref<10000x64xf32, #tpu.memory_space<hbm>>) dst(%dma_wait3A_134 : memref<128x64xf32, #tpu.memory_space<vmem>>)
      %mul3A_143 = arith.constant 128 : i32
      %mul3A_144 = arith.muli %add3A_127, %mul3A_143 : i32
      %run_scoped3A_145 = arith.constant 1 : i32
      "tpu.region"() ({
        %run_scoped3A_242 = tpu.sem_alloc : memref<!tpu.dma_semaphore, #tpu.memory_space<semaphore_mem>>
        %dma_start3A_243 = arith.constant 0 : i32
        %dma_start3A_244 = arith.constant 0 : i32
        %dma_start3A_245 = tpu.memref_slice %arg11[%run_scoped3A_145, %dma_start3A_243, %dma_start3A_244] : memref<4x128x64xf32, #tpu.memory_space<vmem>> -> memref<1x128x64xf32, #tpu.memory_space<vmem>>
        %dma_start3A_246 = tpu.memref_squeeze %dma_start3A_245 : memref<1x128x64xf32, #tpu.memory_space<vmem>> -> memref<128x64xf32, #tpu.memory_space<vmem>>
        %dma_start3A_247 = tpu.memref_slice %arg10[%mul3A_144] : memref<20000xi32, #tpu.memory_space<vmem>> -> memref<128xi32, #tpu.memory_space<vmem>>
        %dma_start3A_248 = arith.constant 0 : i32
        %dma_start3A_249 = arith.constant 0 : i32
        %dma_start3A_250 = tpu.memref_slice %arg14[%dma_start3A_248, %dma_start3A_249] : memref<10112x64xf32, #tpu.memory_space<vmem_shared>> -> memref<10112x64xf32, #tpu.memory_space<vmem_shared>>
        tpu.enqueue_indirect_dma source(%dma_start3A_246 : memref<128x64xf32, #tpu.memory_space<vmem>>) target(%dma_start3A_250 : memref<10112x64xf32, #tpu.memory_space<vmem_shared>>) offsets(%dma_start3A_247 : memref<128xi32, #tpu.memory_space<vmem>>) semaphore(%run_scoped3A_242 : memref<!tpu.dma_semaphore, #tpu.memory_space<semaphore_mem>>) {add = true}
        %dma_wait3A_251 = arith.constant 0 : i32
        %dma_wait3A_252 = arith.constant 0 : i32
        %dma_wait3A_253 = tpu.memref_slice %arg11[%run_scoped3A_145, %dma_wait3A_251, %dma_wait3A_252] : memref<4x128x64xf32, #tpu.memory_space<vmem>> -> memref<1x128x64xf32, #tpu.memory_space<vmem>>
        %dma_wait3A_254 = tpu.memref_squeeze %dma_wait3A_253 : memref<1x128x64xf32, #tpu.memory_space<vmem>> -> memref<128x64xf32, #tpu.memory_space<vmem>>
        %dma_wait3A_255 = tpu.memref_slice %arg10[%mul3A_144] : memref<20000xi32, #tpu.memory_space<vmem>> -> memref<128xi32, #tpu.memory_space<vmem>>
        %dma_wait3A_256 = arith.constant 0 : i32
        %dma_wait3A_257 = arith.constant 0 : i32
        %dma_wait3A_258 = tpu.memref_slice %arg14[%dma_wait3A_256, %dma_wait3A_257] : memref<10112x64xf32, #tpu.memory_space<vmem_shared>> -> memref<10112x64xf32, #tpu.memory_space<vmem_shared>>
        tpu.wait_indirect_dma semaphore(%run_scoped3A_242 : memref<!tpu.dma_semaphore, #tpu.memory_space<semaphore_mem>>) src(%dma_wait3A_254 : memref<128x64xf32, #tpu.memory_space<vmem>>) dst(%dma_wait3A_258 : memref<10112x64xf32, #tpu.memory_space<vmem_shared>>)
        tpu.yield
      }) : () -> ()
      %eq3A_146 = arith.constant 0 : i32
      %eq3A_147 = arith.cmpi eq, %arg0, %eq3A_146 : i32
      %lt3A_148 = arith.constant 78 : i32
      %lt3A_149 = arith.cmpi slt, %add3A_127, %lt3A_148 : i32
      %eq3A_150 = arith.xori %eq3A_147, %lt3A_149 : i1
      %eq3A_151 = arith.constant true
      %eq3A_152 = arith.xori %eq3A_150, %eq3A_151 : i1
      %convert_element_type3A_153 = arith.extui %eq3A_152 : i1 to i32
      %cond3A_154 = arith.constant 0 : i32
      %cond3A_155 = arith.cmpi ne, %convert_element_type3A_153, %cond3A_154 : i32
      scf.if %cond3A_155 {
        %mul3A_242 = arith.constant 128 : i32
        %mul3A_243 = arith.muli %add3A_127, %mul3A_242 : i32
        "tpu.region"() ({
          %run_scoped3A_244 = tpu.sem_alloc : memref<!tpu.dma_semaphore, #tpu.memory_space<semaphore_mem>>
          %dma_start3A_245 = tpu.memref_slice %arg10[%mul3A_243] : memref<20000xi32, #tpu.memory_space<vmem>> -> memref<128xi32, #tpu.memory_space<vmem>>
          %dma_start3A_246 = arith.constant 0 : i32
          %dma_start3A_247 = arith.constant 0 : i32
          %dma_start3A_248 = tpu.memref_slice %arg15[%dma_start3A_246, %dma_start3A_247] : memref<10112x8xf32, #tpu.memory_space<vmem_shared>> -> memref<10112x8xf32, #tpu.memory_space<vmem_shared>>
          tpu.enqueue_indirect_dma source(%arg13 : memref<128x8xf32, #tpu.memory_space<vmem>>) target(%dma_start3A_248 : memref<10112x8xf32, #tpu.memory_space<vmem_shared>>) offsets(%dma_start3A_245 : memref<128xi32, #tpu.memory_space<vmem>>) semaphore(%run_scoped3A_244 : memref<!tpu.dma_semaphore, #tpu.memory_space<semaphore_mem>>) {add = true}
          %dma_wait3A_249 = tpu.memref_slice %arg10[%mul3A_243] : memref<20000xi32, #tpu.memory_space<vmem>> -> memref<128xi32, #tpu.memory_space<vmem>>
          %dma_wait3A_250 = arith.constant 0 : i32
          %dma_wait3A_251 = arith.constant 0 : i32
          %dma_wait3A_252 = tpu.memref_slice %arg15[%dma_wait3A_250, %dma_wait3A_251] : memref<10112x8xf32, #tpu.memory_space<vmem_shared>> -> memref<10112x8xf32, #tpu.memory_space<vmem_shared>>
          tpu.wait_indirect_dma semaphore(%run_scoped3A_244 : memref<!tpu.dma_semaphore, #tpu.memory_space<semaphore_mem>>) src(%arg13 : memref<128x8xf32, #tpu.memory_space<vmem>>) dst(%dma_wait3A_252 : memref<10112x8xf32, #tpu.memory_space<vmem_shared>>)
          tpu.yield
        }) : () -> ()
      } else {
      }
      %add3A_156 = arith.constant 4 : i32
      %add3A_157 = arith.addi %add3A_127, %add3A_156 : i32
      %lt3A_158 = arith.constant 156 : i32
      %lt3A_159 = arith.cmpi slt, %add3A_157, %lt3A_158 : i32
      %convert_element_type3A_160 = arith.extui %lt3A_159 : i1 to i32
      %cond3A_161 = arith.constant 0 : i32
      %cond3A_162 = arith.cmpi ne, %convert_element_type3A_160, %cond3A_161 : i32
      scf.if %cond3A_162 {
        %add3A_242 = arith.constant 4 : i32
        %add3A_243 = arith.addi %add3A_127, %add3A_242 : i32
        %mul3A_244 = arith.constant 128 : i32
        %mul3A_245 = arith.muli %add3A_243, %mul3A_244 : i32
        %dma_start3A_246 = arith.constant 1 : i32
        %dma_start3A_247 = arith.constant 0 : i32
        %dma_start3A_248 = arith.constant 0 : i32
        %dma_start3A_249 = tpu.memref_slice %arg11[%dma_start3A_246, %dma_start3A_247, %dma_start3A_248] : memref<4x128x64xf32, #tpu.memory_space<vmem>> -> memref<1x128x64xf32, #tpu.memory_space<vmem>>
        %dma_start3A_250 = tpu.memref_squeeze %dma_start3A_249 : memref<1x128x64xf32, #tpu.memory_space<vmem>> -> memref<128x64xf32, #tpu.memory_space<vmem>>
        %dma_start3A_251 = tpu.memref_slice %arg9[%mul3A_245] : memref<20000xi32, #tpu.memory_space<vmem>> -> memref<128xi32, #tpu.memory_space<vmem>>
        %dma_start3A_252 = arith.constant 0 : i32
        %dma_start3A_253 = arith.constant 0 : i32
        %dma_start3A_254 = tpu.memref_slice %arg2[%arg0, %dma_start3A_252, %dma_start3A_253] : memref<2x10000x64xf32, #tpu.memory_space<hbm>> -> memref<1x10000x64xf32, #tpu.memory_space<hbm>>
        %dma_start3A_255 = tpu.memref_squeeze %dma_start3A_254 : memref<1x10000x64xf32, #tpu.memory_space<hbm>> -> memref<10000x64xf32, #tpu.memory_space<hbm>>
        %dma_start3A_256 = arith.constant 0 : i32
        %dma_start3A_257 = arith.constant 0 : i32
        %dma_start3A_258 = tpu.memref_slice %dma_start3A_255[%dma_start3A_256, %dma_start3A_257] : memref<10000x64xf32, #tpu.memory_space<hbm>> -> memref<10000x64xf32, #tpu.memory_space<hbm>>
        tpu.enqueue_indirect_dma source(%dma_start3A_258 : memref<10000x64xf32, #tpu.memory_space<hbm>>) target(%dma_start3A_250 : memref<128x64xf32, #tpu.memory_space<vmem>>) offsets(%dma_start3A_251 : memref<128xi32, #tpu.memory_space<vmem>>) semaphore(%arg17 : memref<!tpu.dma_semaphore, #tpu.memory_space<semaphore_mem>>)
      } else {
      }
      %mul3A_163 = arith.constant 4 : i32
      %mul3A_164 = arith.muli %mul3A_163, %scan3A_85 : i32
      %add3A_165 = arith.constant 2 : i32
      %add3A_166 = arith.addi %mul3A_164, %add3A_165 : i32
      %mul3A_167 = arith.constant 128 : i32
      %mul3A_168 = arith.muli %add3A_166, %mul3A_167 : i32
      %dma_wait3A_169 = arith.constant 2 : i32
      %dma_wait3A_170 = arith.constant 0 : i32
      %dma_wait3A_171 = arith.constant 0 : i32
      %dma_wait3A_172 = tpu.memref_slice %arg11[%dma_wait3A_169, %dma_wait3A_170, %dma_wait3A_171] : memref<4x128x64xf32, #tpu.memory_space<vmem>> -> memref<1x128x64xf32, #tpu.memory_space<vmem>>
      %dma_wait3A_173 = tpu.memref_squeeze %dma_wait3A_172 : memref<1x128x64xf32, #tpu.memory_space<vmem>> -> memref<128x64xf32, #tpu.memory_space<vmem>>
      %dma_wait3A_174 = tpu.memref_slice %arg9[%mul3A_168] : memref<20000xi32, #tpu.memory_space<vmem>> -> memref<128xi32, #tpu.memory_space<vmem>>
      %dma_wait3A_175 = arith.constant 0 : i32
      %dma_wait3A_176 = arith.constant 0 : i32
      %dma_wait3A_177 = tpu.memref_slice %arg2[%arg0, %dma_wait3A_175, %dma_wait3A_176] : memref<2x10000x64xf32, #tpu.memory_space<hbm>> -> memref<1x10000x64xf32, #tpu.memory_space<hbm>>
      %dma_wait3A_178 = tpu.memref_squeeze %dma_wait3A_177 : memref<1x10000x64xf32, #tpu.memory_space<hbm>> -> memref<10000x64xf32, #tpu.memory_space<hbm>>
      %dma_wait3A_179 = arith.constant 0 : i32
      %dma_wait3A_180 = arith.constant 0 : i32
      %dma_wait3A_181 = tpu.memref_slice %dma_wait3A_178[%dma_wait3A_179, %dma_wait3A_180] : memref<10000x64xf32, #tpu.memory_space<hbm>> -> memref<10000x64xf32, #tpu.memory_space<hbm>>
      tpu.wait_indirect_dma semaphore(%arg18 : memref<!tpu.dma_semaphore, #tpu.memory_space<semaphore_mem>>) src(%dma_wait3A_181 : memref<10000x64xf32, #tpu.memory_space<hbm>>) dst(%dma_wait3A_173 : memref<128x64xf32, #tpu.memory_space<vmem>>)
      %mul3A_182 = arith.constant 128 : i32
      %mul3A_183 = arith.muli %add3A_166, %mul3A_182 : i32
      %run_scoped3A_184 = arith.constant 2 : i32
      "tpu.region"() ({
        %run_scoped3A_242 = tpu.sem_alloc : memref<!tpu.dma_semaphore, #tpu.memory_space<semaphore_mem>>
        %dma_start3A_243 = arith.constant 0 : i32
        %dma_start3A_244 = arith.constant 0 : i32
        %dma_start3A_245 = tpu.memref_slice %arg11[%run_scoped3A_184, %dma_start3A_243, %dma_start3A_244] : memref<4x128x64xf32, #tpu.memory_space<vmem>> -> memref<1x128x64xf32, #tpu.memory_space<vmem>>
        %dma_start3A_246 = tpu.memref_squeeze %dma_start3A_245 : memref<1x128x64xf32, #tpu.memory_space<vmem>> -> memref<128x64xf32, #tpu.memory_space<vmem>>
        %dma_start3A_247 = tpu.memref_slice %arg10[%mul3A_183] : memref<20000xi32, #tpu.memory_space<vmem>> -> memref<128xi32, #tpu.memory_space<vmem>>
        %dma_start3A_248 = arith.constant 0 : i32
        %dma_start3A_249 = arith.constant 0 : i32
        %dma_start3A_250 = tpu.memref_slice %arg14[%dma_start3A_248, %dma_start3A_249] : memref<10112x64xf32, #tpu.memory_space<vmem_shared>> -> memref<10112x64xf32, #tpu.memory_space<vmem_shared>>
        tpu.enqueue_indirect_dma source(%dma_start3A_246 : memref<128x64xf32, #tpu.memory_space<vmem>>) target(%dma_start3A_250 : memref<10112x64xf32, #tpu.memory_space<vmem_shared>>) offsets(%dma_start3A_247 : memref<128xi32, #tpu.memory_space<vmem>>) semaphore(%run_scoped3A_242 : memref<!tpu.dma_semaphore, #tpu.memory_space<semaphore_mem>>) {add = true}
        %dma_wait3A_251 = arith.constant 0 : i32
        %dma_wait3A_252 = arith.constant 0 : i32
        %dma_wait3A_253 = tpu.memref_slice %arg11[%run_scoped3A_184, %dma_wait3A_251, %dma_wait3A_252] : memref<4x128x64xf32, #tpu.memory_space<vmem>> -> memref<1x128x64xf32, #tpu.memory_space<vmem>>
        %dma_wait3A_254 = tpu.memref_squeeze %dma_wait3A_253 : memref<1x128x64xf32, #tpu.memory_space<vmem>> -> memref<128x64xf32, #tpu.memory_space<vmem>>
        %dma_wait3A_255 = tpu.memref_slice %arg10[%mul3A_183] : memref<20000xi32, #tpu.memory_space<vmem>> -> memref<128xi32, #tpu.memory_space<vmem>>
        %dma_wait3A_256 = arith.constant 0 : i32
        %dma_wait3A_257 = arith.constant 0 : i32
        %dma_wait3A_258 = tpu.memref_slice %arg14[%dma_wait3A_256, %dma_wait3A_257] : memref<10112x64xf32, #tpu.memory_space<vmem_shared>> -> memref<10112x64xf32, #tpu.memory_space<vmem_shared>>
        tpu.wait_indirect_dma semaphore(%run_scoped3A_242 : memref<!tpu.dma_semaphore, #tpu.memory_space<semaphore_mem>>) src(%dma_wait3A_254 : memref<128x64xf32, #tpu.memory_space<vmem>>) dst(%dma_wait3A_258 : memref<10112x64xf32, #tpu.memory_space<vmem_shared>>)
        tpu.yield
      }) : () -> ()
      %eq3A_185 = arith.constant 0 : i32
      %eq3A_186 = arith.cmpi eq, %arg0, %eq3A_185 : i32
      %lt3A_187 = arith.constant 78 : i32
      %lt3A_188 = arith.cmpi slt, %add3A_166, %lt3A_187 : i32
      %eq3A_189 = arith.xori %eq3A_186, %lt3A_188 : i1
      %eq3A_190 = arith.constant true
      %eq3A_191 = arith.xori %eq3A_189, %eq3A_190 : i1
      %convert_element_type3A_192 = arith.extui %eq3A_191 : i1 to i32
      %cond3A_193 = arith.constant 0 : i32
      %cond3A_194 = arith.cmpi ne, %convert_element_type3A_192, %cond3A_193 : i32
      scf.if %cond3A_194 {
        %mul3A_242 = arith.constant 128 : i32
        %mul3A_243 = arith.muli %add3A_166, %mul3A_242 : i32
        "tpu.region"() ({
          %run_scoped3A_244 = tpu.sem_alloc : memref<!tpu.dma_semaphore, #tpu.memory_space<semaphore_mem>>
          %dma_start3A_245 = tpu.memref_slice %arg10[%mul3A_243] : memref<20000xi32, #tpu.memory_space<vmem>> -> memref<128xi32, #tpu.memory_space<vmem>>
          %dma_start3A_246 = arith.constant 0 : i32
          %dma_start3A_247 = arith.constant 0 : i32
          %dma_start3A_248 = tpu.memref_slice %arg15[%dma_start3A_246, %dma_start3A_247] : memref<10112x8xf32, #tpu.memory_space<vmem_shared>> -> memref<10112x8xf32, #tpu.memory_space<vmem_shared>>
          tpu.enqueue_indirect_dma source(%arg13 : memref<128x8xf32, #tpu.memory_space<vmem>>) target(%dma_start3A_248 : memref<10112x8xf32, #tpu.memory_space<vmem_shared>>) offsets(%dma_start3A_245 : memref<128xi32, #tpu.memory_space<vmem>>) semaphore(%run_scoped3A_244 : memref<!tpu.dma_semaphore, #tpu.memory_space<semaphore_mem>>) {add = true}
          %dma_wait3A_249 = tpu.memref_slice %arg10[%mul3A_243] : memref<20000xi32, #tpu.memory_space<vmem>> -> memref<128xi32, #tpu.memory_space<vmem>>
          %dma_wait3A_250 = arith.constant 0 : i32
          %dma_wait3A_251 = arith.constant 0 : i32
          %dma_wait3A_252 = tpu.memref_slice %arg15[%dma_wait3A_250, %dma_wait3A_251] : memref<10112x8xf32, #tpu.memory_space<vmem_shared>> -> memref<10112x8xf32, #tpu.memory_space<vmem_shared>>
          tpu.wait_indirect_dma semaphore(%run_scoped3A_244 : memref<!tpu.dma_semaphore, #tpu.memory_space<semaphore_mem>>) src(%arg13 : memref<128x8xf32, #tpu.memory_space<vmem>>) dst(%dma_wait3A_252 : memref<10112x8xf32, #tpu.memory_space<vmem_shared>>)
          tpu.yield
        }) : () -> ()
      } else {
      }
      %add3A_195 = arith.constant 4 : i32
      %add3A_196 = arith.addi %add3A_166, %add3A_195 : i32
      %lt3A_197 = arith.constant 156 : i32
      %lt3A_198 = arith.cmpi slt, %add3A_196, %lt3A_197 : i32
      %convert_element_type3A_199 = arith.extui %lt3A_198 : i1 to i32
      %cond3A_200 = arith.constant 0 : i32
      %cond3A_201 = arith.cmpi ne, %convert_element_type3A_199, %cond3A_200 : i32
      scf.if %cond3A_201 {
        %add3A_242 = arith.constant 4 : i32
        %add3A_243 = arith.addi %add3A_166, %add3A_242 : i32
        %mul3A_244 = arith.constant 128 : i32
        %mul3A_245 = arith.muli %add3A_243, %mul3A_244 : i32
        %dma_start3A_246 = arith.constant 2 : i32
        %dma_start3A_247 = arith.constant 0 : i32
        %dma_start3A_248 = arith.constant 0 : i32
        %dma_start3A_249 = tpu.memref_slice %arg11[%dma_start3A_246, %dma_start3A_247, %dma_start3A_248] : memref<4x128x64xf32, #tpu.memory_space<vmem>> -> memref<1x128x64xf32, #tpu.memory_space<vmem>>
        %dma_start3A_250 = tpu.memref_squeeze %dma_start3A_249 : memref<1x128x64xf32, #tpu.memory_space<vmem>> -> memref<128x64xf32, #tpu.memory_space<vmem>>
        %dma_start3A_251 = tpu.memref_slice %arg9[%mul3A_245] : memref<20000xi32, #tpu.memory_space<vmem>> -> memref<128xi32, #tpu.memory_space<vmem>>
        %dma_start3A_252 = arith.constant 0 : i32
        %dma_start3A_253 = arith.constant 0 : i32
        %dma_start3A_254 = tpu.memref_slice %arg2[%arg0, %dma_start3A_252, %dma_start3A_253] : memref<2x10000x64xf32, #tpu.memory_space<hbm>> -> memref<1x10000x64xf32, #tpu.memory_space<hbm>>
        %dma_start3A_255 = tpu.memref_squeeze %dma_start3A_254 : memref<1x10000x64xf32, #tpu.memory_space<hbm>> -> memref<10000x64xf32, #tpu.memory_space<hbm>>
        %dma_start3A_256 = arith.constant 0 : i32
        %dma_start3A_257 = arith.constant 0 : i32
        %dma_start3A_258 = tpu.memref_slice %dma_start3A_255[%dma_start3A_256, %dma_start3A_257] : memref<10000x64xf32, #tpu.memory_space<hbm>> -> memref<10000x64xf32, #tpu.memory_space<hbm>>
        tpu.enqueue_indirect_dma source(%dma_start3A_258 : memref<10000x64xf32, #tpu.memory_space<hbm>>) target(%dma_start3A_250 : memref<128x64xf32, #tpu.memory_space<vmem>>) offsets(%dma_start3A_251 : memref<128xi32, #tpu.memory_space<vmem>>) semaphore(%arg18 : memref<!tpu.dma_semaphore, #tpu.memory_space<semaphore_mem>>)
      } else {
      }
      %mul3A_202 = arith.constant 4 : i32
      %mul3A_203 = arith.muli %mul3A_202, %scan3A_85 : i32
      %add3A_204 = arith.constant 3 : i32
      %add3A_205 = arith.addi %mul3A_203, %add3A_204 : i32
      %mul3A_206 = arith.constant 128 : i32
      %mul3A_207 = arith.muli %add3A_205, %mul3A_206 : i32
      %dma_wait3A_208 = arith.constant 3 : i32
      %dma_wait3A_209 = arith.constant 0 : i32
      %dma_wait3A_210 = arith.constant 0 : i32
      %dma_wait3A_211 = tpu.memref_slice %arg11[%dma_wait3A_208, %dma_wait3A_209, %dma_wait3A_210] : memref<4x128x64xf32, #tpu.memory_space<vmem>> -> memref<1x128x64xf32, #tpu.memory_space<vmem>>
      %dma_wait3A_212 = tpu.memref_squeeze %dma_wait3A_211 : memref<1x128x64xf32, #tpu.memory_space<vmem>> -> memref<128x64xf32, #tpu.memory_space<vmem>>
      %dma_wait3A_213 = tpu.memref_slice %arg9[%mul3A_207] : memref<20000xi32, #tpu.memory_space<vmem>> -> memref<128xi32, #tpu.memory_space<vmem>>
      %dma_wait3A_214 = arith.constant 0 : i32
      %dma_wait3A_215 = arith.constant 0 : i32
      %dma_wait3A_216 = tpu.memref_slice %arg2[%arg0, %dma_wait3A_214, %dma_wait3A_215] : memref<2x10000x64xf32, #tpu.memory_space<hbm>> -> memref<1x10000x64xf32, #tpu.memory_space<hbm>>
      %dma_wait3A_217 = tpu.memref_squeeze %dma_wait3A_216 : memref<1x10000x64xf32, #tpu.memory_space<hbm>> -> memref<10000x64xf32, #tpu.memory_space<hbm>>
      %dma_wait3A_218 = arith.constant 0 : i32
      %dma_wait3A_219 = arith.constant 0 : i32
      %dma_wait3A_220 = tpu.memref_slice %dma_wait3A_217[%dma_wait3A_218, %dma_wait3A_219] : memref<10000x64xf32, #tpu.memory_space<hbm>> -> memref<10000x64xf32, #tpu.memory_space<hbm>>
      tpu.wait_indirect_dma semaphore(%arg19 : memref<!tpu.dma_semaphore, #tpu.memory_space<semaphore_mem>>) src(%dma_wait3A_220 : memref<10000x64xf32, #tpu.memory_space<hbm>>) dst(%dma_wait3A_212 : memref<128x64xf32, #tpu.memory_space<vmem>>)
      %mul3A_221 = arith.constant 128 : i32
      %mul3A_222 = arith.muli %add3A_205, %mul3A_221 : i32
      %run_scoped3A_223 = arith.constant 3 : i32
      "tpu.region"() ({
        %run_scoped3A_242 = tpu.sem_alloc : memref<!tpu.dma_semaphore, #tpu.memory_space<semaphore_mem>>
        %dma_start3A_243 = arith.constant 0 : i32
        %dma_start3A_244 = arith.constant 0 : i32
        %dma_start3A_245 = tpu.memref_slice %arg11[%run_scoped3A_223, %dma_start3A_243, %dma_start3A_244] : memref<4x128x64xf32, #tpu.memory_space<vmem>> -> memref<1x128x64xf32, #tpu.memory_space<vmem>>
        %dma_start3A_246 = tpu.memref_squeeze %dma_start3A_245 : memref<1x128x64xf32, #tpu.memory_space<vmem>> -> memref<128x64xf32, #tpu.memory_space<vmem>>
        %dma_start3A_247 = tpu.memref_slice %arg10[%mul3A_222] : memref<20000xi32, #tpu.memory_space<vmem>> -> memref<128xi32, #tpu.memory_space<vmem>>
        %dma_start3A_248 = arith.constant 0 : i32
        %dma_start3A_249 = arith.constant 0 : i32
        %dma_start3A_250 = tpu.memref_slice %arg14[%dma_start3A_248, %dma_start3A_249] : memref<10112x64xf32, #tpu.memory_space<vmem_shared>> -> memref<10112x64xf32, #tpu.memory_space<vmem_shared>>
        tpu.enqueue_indirect_dma source(%dma_start3A_246 : memref<128x64xf32, #tpu.memory_space<vmem>>) target(%dma_start3A_250 : memref<10112x64xf32, #tpu.memory_space<vmem_shared>>) offsets(%dma_start3A_247 : memref<128xi32, #tpu.memory_space<vmem>>) semaphore(%run_scoped3A_242 : memref<!tpu.dma_semaphore, #tpu.memory_space<semaphore_mem>>) {add = true}
        %dma_wait3A_251 = arith.constant 0 : i32
        %dma_wait3A_252 = arith.constant 0 : i32
        %dma_wait3A_253 = tpu.memref_slice %arg11[%run_scoped3A_223, %dma_wait3A_251, %dma_wait3A_252] : memref<4x128x64xf32, #tpu.memory_space<vmem>> -> memref<1x128x64xf32, #tpu.memory_space<vmem>>
        %dma_wait3A_254 = tpu.memref_squeeze %dma_wait3A_253 : memref<1x128x64xf32, #tpu.memory_space<vmem>> -> memref<128x64xf32, #tpu.memory_space<vmem>>
        %dma_wait3A_255 = tpu.memref_slice %arg10[%mul3A_222] : memref<20000xi32, #tpu.memory_space<vmem>> -> memref<128xi32, #tpu.memory_space<vmem>>
        %dma_wait3A_256 = arith.constant 0 : i32
        %dma_wait3A_257 = arith.constant 0 : i32
        %dma_wait3A_258 = tpu.memref_slice %arg14[%dma_wait3A_256, %dma_wait3A_257] : memref<10112x64xf32, #tpu.memory_space<vmem_shared>> -> memref<10112x64xf32, #tpu.memory_space<vmem_shared>>
        tpu.wait_indirect_dma semaphore(%run_scoped3A_242 : memref<!tpu.dma_semaphore, #tpu.memory_space<semaphore_mem>>) src(%dma_wait3A_254 : memref<128x64xf32, #tpu.memory_space<vmem>>) dst(%dma_wait3A_258 : memref<10112x64xf32, #tpu.memory_space<vmem_shared>>)
        tpu.yield
      }) : () -> ()
      %eq3A_224 = arith.constant 0 : i32
      %eq3A_225 = arith.cmpi eq, %arg0, %eq3A_224 : i32
      %lt3A_226 = arith.constant 78 : i32
      %lt3A_227 = arith.cmpi slt, %add3A_205, %lt3A_226 : i32
      %eq3A_228 = arith.xori %eq3A_225, %lt3A_227 : i1
      %eq3A_229 = arith.constant true
      %eq3A_230 = arith.xori %eq3A_228, %eq3A_229 : i1
      %convert_element_type3A_231 = arith.extui %eq3A_230 : i1 to i32
      %cond3A_232 = arith.constant 0 : i32
      %cond3A_233 = arith.cmpi ne, %convert_element_type3A_231, %cond3A_232 : i32
      scf.if %cond3A_233 {
        %mul3A_242 = arith.constant 128 : i32
        %mul3A_243 = arith.muli %add3A_205, %mul3A_242 : i32
        "tpu.region"() ({
          %run_scoped3A_244 = tpu.sem_alloc : memref<!tpu.dma_semaphore, #tpu.memory_space<semaphore_mem>>
          %dma_start3A_245 = tpu.memref_slice %arg10[%mul3A_243] : memref<20000xi32, #tpu.memory_space<vmem>> -> memref<128xi32, #tpu.memory_space<vmem>>
          %dma_start3A_246 = arith.constant 0 : i32
          %dma_start3A_247 = arith.constant 0 : i32
          %dma_start3A_248 = tpu.memref_slice %arg15[%dma_start3A_246, %dma_start3A_247] : memref<10112x8xf32, #tpu.memory_space<vmem_shared>> -> memref<10112x8xf32, #tpu.memory_space<vmem_shared>>
          tpu.enqueue_indirect_dma source(%arg13 : memref<128x8xf32, #tpu.memory_space<vmem>>) target(%dma_start3A_248 : memref<10112x8xf32, #tpu.memory_space<vmem_shared>>) offsets(%dma_start3A_245 : memref<128xi32, #tpu.memory_space<vmem>>) semaphore(%run_scoped3A_244 : memref<!tpu.dma_semaphore, #tpu.memory_space<semaphore_mem>>) {add = true}
          %dma_wait3A_249 = tpu.memref_slice %arg10[%mul3A_243] : memref<20000xi32, #tpu.memory_space<vmem>> -> memref<128xi32, #tpu.memory_space<vmem>>
          %dma_wait3A_250 = arith.constant 0 : i32
          %dma_wait3A_251 = arith.constant 0 : i32
          %dma_wait3A_252 = tpu.memref_slice %arg15[%dma_wait3A_250, %dma_wait3A_251] : memref<10112x8xf32, #tpu.memory_space<vmem_shared>> -> memref<10112x8xf32, #tpu.memory_space<vmem_shared>>
          tpu.wait_indirect_dma semaphore(%run_scoped3A_244 : memref<!tpu.dma_semaphore, #tpu.memory_space<semaphore_mem>>) src(%arg13 : memref<128x8xf32, #tpu.memory_space<vmem>>) dst(%dma_wait3A_252 : memref<10112x8xf32, #tpu.memory_space<vmem_shared>>)
          tpu.yield
        }) : () -> ()
      } else {
      }
      %add3A_234 = arith.constant 4 : i32
      %add3A_235 = arith.addi %add3A_205, %add3A_234 : i32
      %lt3A_236 = arith.constant 156 : i32
      %lt3A_237 = arith.cmpi slt, %add3A_235, %lt3A_236 : i32
      %convert_element_type3A_238 = arith.extui %lt3A_237 : i1 to i32
      %cond3A_239 = arith.constant 0 : i32
      %cond3A_240 = arith.cmpi ne, %convert_element_type3A_238, %cond3A_239 : i32
      scf.if %cond3A_240 {
        %add3A_242 = arith.constant 4 : i32
        %add3A_243 = arith.addi %add3A_205, %add3A_242 : i32
        %mul3A_244 = arith.constant 128 : i32
        %mul3A_245 = arith.muli %add3A_243, %mul3A_244 : i32
        %dma_start3A_246 = arith.constant 3 : i32
        %dma_start3A_247 = arith.constant 0 : i32
        %dma_start3A_248 = arith.constant 0 : i32
        %dma_start3A_249 = tpu.memref_slice %arg11[%dma_start3A_246, %dma_start3A_247, %dma_start3A_248] : memref<4x128x64xf32, #tpu.memory_space<vmem>> -> memref<1x128x64xf32, #tpu.memory_space<vmem>>
        %dma_start3A_250 = tpu.memref_squeeze %dma_start3A_249 : memref<1x128x64xf32, #tpu.memory_space<vmem>> -> memref<128x64xf32, #tpu.memory_space<vmem>>
        %dma_start3A_251 = tpu.memref_slice %arg9[%mul3A_245] : memref<20000xi32, #tpu.memory_space<vmem>> -> memref<128xi32, #tpu.memory_space<vmem>>
        %dma_start3A_252 = arith.constant 0 : i32
        %dma_start3A_253 = arith.constant 0 : i32
        %dma_start3A_254 = tpu.memref_slice %arg2[%arg0, %dma_start3A_252, %dma_start3A_253] : memref<2x10000x64xf32, #tpu.memory_space<hbm>> -> memref<1x10000x64xf32, #tpu.memory_space<hbm>>
        %dma_start3A_255 = tpu.memref_squeeze %dma_start3A_254 : memref<1x10000x64xf32, #tpu.memory_space<hbm>> -> memref<10000x64xf32, #tpu.memory_space<hbm>>
        %dma_start3A_256 = arith.constant 0 : i32
        %dma_start3A_257 = arith.constant 0 : i32
        %dma_start3A_258 = tpu.memref_slice %dma_start3A_255[%dma_start3A_256, %dma_start3A_257] : memref<10000x64xf32, #tpu.memory_space<hbm>> -> memref<10000x64xf32, #tpu.memory_space<hbm>>
        tpu.enqueue_indirect_dma source(%dma_start3A_258 : memref<10000x64xf32, #tpu.memory_space<hbm>>) target(%dma_start3A_250 : memref<128x64xf32, #tpu.memory_space<vmem>>) offsets(%dma_start3A_251 : memref<128xi32, #tpu.memory_space<vmem>>) semaphore(%arg19 : memref<!tpu.dma_semaphore, #tpu.memory_space<semaphore_mem>>)
      } else {
      }
      %scan3A_241 = arith.constant 0 : i32
      scf.yield %scan3A_241 : i32
    }
    %scan3A_64 = arith.constant 39 : i32
    %dma_start3A_65 = arith.constant 19968 : i32
    %dma_start3A_66 = tpu.memref_slice %arg9[%dma_start3A_65] : memref<20000xi32, #tpu.memory_space<vmem>> -> memref<32xi32, #tpu.memory_space<vmem>>
    %dma_start3A_67 = arith.constant 0 : i32
    %dma_start3A_68 = arith.constant 0 : i32
    %dma_start3A_69 = tpu.memref_slice %arg2[%arg0, %dma_start3A_67, %dma_start3A_68] : memref<2x10000x64xf32, #tpu.memory_space<hbm>> -> memref<1x10000x64xf32, #tpu.memory_space<hbm>>
    %dma_start3A_70 = tpu.memref_squeeze %dma_start3A_69 : memref<1x10000x64xf32, #tpu.memory_space<hbm>> -> memref<10000x64xf32, #tpu.memory_space<hbm>>
    %dma_start3A_71 = arith.constant 0 : i32
    %dma_start3A_72 = arith.constant 0 : i32
    %dma_start3A_73 = tpu.memref_slice %dma_start3A_70[%dma_start3A_71, %dma_start3A_72] : memref<10000x64xf32, #tpu.memory_space<hbm>> -> memref<10000x64xf32, #tpu.memory_space<hbm>>
    tpu.enqueue_indirect_dma source(%dma_start3A_73 : memref<10000x64xf32, #tpu.memory_space<hbm>>) target(%arg12 : memref<32x64xf32, #tpu.memory_space<vmem>>) offsets(%dma_start3A_66 : memref<32xi32, #tpu.memory_space<vmem>>) semaphore(%arg16 : memref<!tpu.dma_semaphore, #tpu.memory_space<semaphore_mem>>)
    %dma_wait3A = arith.constant 19968 : i32
    %dma_wait3A_74 = tpu.memref_slice %arg9[%dma_wait3A] : memref<20000xi32, #tpu.memory_space<vmem>> -> memref<32xi32, #tpu.memory_space<vmem>>
    %dma_wait3A_75 = arith.constant 0 : i32
    %dma_wait3A_76 = arith.constant 0 : i32
    %dma_wait3A_77 = tpu.memref_slice %arg2[%arg0, %dma_wait3A_75, %dma_wait3A_76] : memref<2x10000x64xf32, #tpu.memory_space<hbm>> -> memref<1x10000x64xf32, #tpu.memory_space<hbm>>
    %dma_wait3A_78 = tpu.memref_squeeze %dma_wait3A_77 : memref<1x10000x64xf32, #tpu.memory_space<hbm>> -> memref<10000x64xf32, #tpu.memory_space<hbm>>
    %dma_wait3A_79 = arith.constant 0 : i32
    %dma_wait3A_80 = arith.constant 0 : i32
    %dma_wait3A_81 = tpu.memref_slice %dma_wait3A_78[%dma_wait3A_79, %dma_wait3A_80] : memref<10000x64xf32, #tpu.memory_space<hbm>> -> memref<10000x64xf32, #tpu.memory_space<hbm>>
    tpu.wait_indirect_dma semaphore(%arg16 : memref<!tpu.dma_semaphore, #tpu.memory_space<semaphore_mem>>) src(%dma_wait3A_81 : memref<10000x64xf32, #tpu.memory_space<hbm>>) dst(%arg12 : memref<32x64xf32, #tpu.memory_space<vmem>>)
    "tpu.region"() ({
      %run_scoped3A_85 = tpu.sem_alloc : memref<!tpu.dma_semaphore, #tpu.memory_space<semaphore_mem>>
      %dma_start3A_86 = arith.constant 19968 : i32
      %dma_start3A_87 = tpu.memref_slice %arg10[%dma_start3A_86] : memref<20000xi32, #tpu.memory_space<vmem>> -> memref<32xi32, #tpu.memory_space<vmem>>
      %dma_start3A_88 = arith.constant 0 : i32
      %dma_start3A_89 = arith.constant 0 : i32
      %dma_start3A_90 = tpu.memref_slice %arg14[%dma_start3A_88, %dma_start3A_89] : memref<10112x64xf32, #tpu.memory_space<vmem_shared>> -> memref<10112x64xf32, #tpu.memory_space<vmem_shared>>
      tpu.enqueue_indirect_dma source(%arg12 : memref<32x64xf32, #tpu.memory_space<vmem>>) target(%dma_start3A_90 : memref<10112x64xf32, #tpu.memory_space<vmem_shared>>) offsets(%dma_start3A_87 : memref<32xi32, #tpu.memory_space<vmem>>) semaphore(%run_scoped3A_85 : memref<!tpu.dma_semaphore, #tpu.memory_space<semaphore_mem>>) {add = true}
      %dma_wait3A_91 = arith.constant 19968 : i32
      %dma_wait3A_92 = tpu.memref_slice %arg10[%dma_wait3A_91] : memref<20000xi32, #tpu.memory_space<vmem>> -> memref<32xi32, #tpu.memory_space<vmem>>
      %dma_wait3A_93 = arith.constant 0 : i32
      %dma_wait3A_94 = arith.constant 0 : i32
      %dma_wait3A_95 = tpu.memref_slice %arg14[%dma_wait3A_93, %dma_wait3A_94] : memref<10112x64xf32, #tpu.memory_space<vmem_shared>> -> memref<10112x64xf32, #tpu.memory_space<vmem_shared>>
      tpu.wait_indirect_dma semaphore(%run_scoped3A_85 : memref<!tpu.dma_semaphore, #tpu.memory_space<semaphore_mem>>) src(%arg12 : memref<32x64xf32, #tpu.memory_space<vmem>>) dst(%dma_wait3A_95 : memref<10112x64xf32, #tpu.memory_space<vmem_shared>>)
      tpu.yield
    }) : () -> ()
    %eq3A = arith.constant 1 : i32
    %eq3A_82 = arith.cmpi eq, %arg0, %eq3A : i32
    %convert_element_type3A = arith.extui %eq3A_82 : i1 to i32
    %cond3A = arith.constant 0 : i32
    %cond3A_83 = arith.cmpi ne, %convert_element_type3A, %cond3A : i32
    scf.if %cond3A_83 {
      "tpu.region"() ({
        %run_scoped3A_85 = tpu.sem_alloc : memref<!tpu.dma_semaphore, #tpu.memory_space<semaphore_mem>>
        %dma_start3A_86 = arith.constant 0 : i32
        %dma_start3A_87 = arith.constant 0 : i32
        %dma_start3A_88 = tpu.memref_slice %arg13[%dma_start3A_86, %dma_start3A_87] : memref<128x8xf32, #tpu.memory_space<vmem>> -> memref<32x8xf32, #tpu.memory_space<vmem>>
        %dma_start3A_89 = arith.constant 19968 : i32
        %dma_start3A_90 = tpu.memref_slice %arg10[%dma_start3A_89] : memref<20000xi32, #tpu.memory_space<vmem>> -> memref<32xi32, #tpu.memory_space<vmem>>
        %dma_start3A_91 = arith.constant 0 : i32
        %dma_start3A_92 = arith.constant 0 : i32
        %dma_start3A_93 = tpu.memref_slice %arg15[%dma_start3A_91, %dma_start3A_92] : memref<10112x8xf32, #tpu.memory_space<vmem_shared>> -> memref<10112x8xf32, #tpu.memory_space<vmem_shared>>
        tpu.enqueue_indirect_dma source(%dma_start3A_88 : memref<32x8xf32, #tpu.memory_space<vmem>>) target(%dma_start3A_93 : memref<10112x8xf32, #tpu.memory_space<vmem_shared>>) offsets(%dma_start3A_90 : memref<32xi32, #tpu.memory_space<vmem>>) semaphore(%run_scoped3A_85 : memref<!tpu.dma_semaphore, #tpu.memory_space<semaphore_mem>>) {add = true}
        %dma_wait3A_94 = arith.constant 0 : i32
        %dma_wait3A_95 = arith.constant 0 : i32
        %dma_wait3A_96 = tpu.memref_slice %arg13[%dma_wait3A_94, %dma_wait3A_95] : memref<128x8xf32, #tpu.memory_space<vmem>> -> memref<32x8xf32, #tpu.memory_space<vmem>>
        %dma_wait3A_97 = arith.constant 19968 : i32
        %dma_wait3A_98 = tpu.memref_slice %arg10[%dma_wait3A_97] : memref<20000xi32, #tpu.memory_space<vmem>> -> memref<32xi32, #tpu.memory_space<vmem>>
        %dma_wait3A_99 = arith.constant 0 : i32
        %dma_wait3A_100 = arith.constant 0 : i32
        %dma_wait3A_101 = tpu.memref_slice %arg15[%dma_wait3A_99, %dma_wait3A_100] : memref<10112x8xf32, #tpu.memory_space<vmem_shared>> -> memref<10112x8xf32, #tpu.memory_space<vmem_shared>>
        tpu.wait_indirect_dma semaphore(%run_scoped3A_85 : memref<!tpu.dma_semaphore, #tpu.memory_space<semaphore_mem>>) src(%dma_wait3A_96 : memref<32x8xf32, #tpu.memory_space<vmem>>) dst(%dma_wait3A_101 : memref<10112x8xf32, #tpu.memory_space<vmem_shared>>)
        tpu.yield
      }) : () -> ()
    } else {
    }
    %barrier3A_84 = arith.constant 0 : index
    tpu.barrier barrier_id(%barrier3A_84)
    "tpu.region"() ({
      %run_scoped3A_85 = tpu.sem_alloc : memref<!tpu.dma_semaphore, #tpu.memory_space<semaphore_mem>>
      %dma_start3A_86 = arith.constant 0 : i32
      %dma_start3A_87 = tpu.memref_slice %arg7[%arg0, %mul3A_0, %dma_start3A_86] : memref<2x10112x64xf32, #tpu.memory_space<hbm>> -> memref<1x632x64xf32, #tpu.memory_space<hbm>>
      %dma_start3A_88 = tpu.memref_squeeze %dma_start3A_87 : memref<1x632x64xf32, #tpu.memory_space<hbm>> -> memref<632x64xf32, #tpu.memory_space<hbm>>
      %dma_start3A_89 = arith.constant 0 : i32
      %dma_start3A_90 = tpu.memref_slice %arg14[%mul3A_0, %dma_start3A_89] : memref<10112x64xf32, #tpu.memory_space<vmem_shared>> -> memref<632x64xf32, #tpu.memory_space<vmem_shared>>
      tpu.enqueue_dma source(%dma_start3A_90 : memref<632x64xf32, #tpu.memory_space<vmem_shared>>) target(%dma_start3A_88 : memref<632x64xf32, #tpu.memory_space<hbm>>) target_semaphore(%run_scoped3A_85 : memref<!tpu.dma_semaphore, #tpu.memory_space<semaphore_mem>>)
      %dma_wait3A_91 = arith.constant 0 : i32
      %dma_wait3A_92 = tpu.memref_slice %arg7[%arg0, %mul3A_0, %dma_wait3A_91] : memref<2x10112x64xf32, #tpu.memory_space<hbm>> -> memref<1x632x64xf32, #tpu.memory_space<hbm>>
      %dma_wait3A_93 = tpu.memref_squeeze %dma_wait3A_92 : memref<1x632x64xf32, #tpu.memory_space<hbm>> -> memref<632x64xf32, #tpu.memory_space<hbm>>
      %dma_wait3A_94 = arith.constant 0 : i32
      %dma_wait3A_95 = tpu.memref_slice %arg14[%mul3A_0, %dma_wait3A_94] : memref<10112x64xf32, #tpu.memory_space<vmem_shared>> -> memref<632x64xf32, #tpu.memory_space<vmem_shared>>
      tpu.wait_dma2 semaphore(%run_scoped3A_85 : memref<!tpu.dma_semaphore, #tpu.memory_space<semaphore_mem>>) src(%dma_wait3A_95 : memref<632x64xf32, #tpu.memory_space<vmem_shared>>) dst(%dma_wait3A_93 : memref<632x64xf32, #tpu.memory_space<hbm>>)
      tpu.yield
    }) : () -> ()
    "tpu.region"() ({
      %run_scoped3A_85 = tpu.sem_alloc : memref<!tpu.dma_semaphore, #tpu.memory_space<semaphore_mem>>
      %dma_start3A_86 = arith.constant 0 : i32
      %dma_start3A_87 = tpu.memref_slice %arg8[%arg0, %mul3A_0, %dma_start3A_86] : memref<2x10112x8xf32, #tpu.memory_space<hbm>> -> memref<1x632x8xf32, #tpu.memory_space<hbm>>
      %dma_start3A_88 = tpu.memref_squeeze %dma_start3A_87 : memref<1x632x8xf32, #tpu.memory_space<hbm>> -> memref<632x8xf32, #tpu.memory_space<hbm>>
      %dma_start3A_89 = arith.constant 0 : i32
      %dma_start3A_90 = tpu.memref_slice %arg15[%mul3A_0, %dma_start3A_89] : memref<10112x8xf32, #tpu.memory_space<vmem_shared>> -> memref<632x8xf32, #tpu.memory_space<vmem_shared>>
      tpu.enqueue_dma source(%dma_start3A_90 : memref<632x8xf32, #tpu.memory_space<vmem_shared>>) target(%dma_start3A_88 : memref<632x8xf32, #tpu.memory_space<hbm>>) target_semaphore(%run_scoped3A_85 : memref<!tpu.dma_semaphore, #tpu.memory_space<semaphore_mem>>)
      %dma_wait3A_91 = arith.constant 0 : i32
      %dma_wait3A_92 = tpu.memref_slice %arg8[%arg0, %mul3A_0, %dma_wait3A_91] : memref<2x10112x8xf32, #tpu.memory_space<hbm>> -> memref<1x632x8xf32, #tpu.memory_space<hbm>>
      %dma_wait3A_93 = tpu.memref_squeeze %dma_wait3A_92 : memref<1x632x8xf32, #tpu.memory_space<hbm>> -> memref<632x8xf32, #tpu.memory_space<hbm>>
      %dma_wait3A_94 = arith.constant 0 : i32
      %dma_wait3A_95 = tpu.memref_slice %arg15[%mul3A_0, %dma_wait3A_94] : memref<10112x8xf32, #tpu.memory_space<vmem_shared>> -> memref<632x8xf32, #tpu.memory_space<vmem_shared>>
      tpu.wait_dma2 semaphore(%run_scoped3A_85 : memref<!tpu.dma_semaphore, #tpu.memory_space<semaphore_mem>>) src(%dma_wait3A_95 : memref<632x8xf32, #tpu.memory_space<vmem_shared>>) dst(%dma_wait3A_93 : memref<632x8xf32, #tpu.memory_space<hbm>>)
      tpu.yield
    }) : () -> ()
    return
  }
}

#map = affine_map<(d0, d1) -> (0, 0, 0)>
#map1 = affine_map<(d0, d1) -> (0, 0)>
module attributes {stable_mosaic.version = 14 : i64} {
  func.func @_sc_agg_body(%arg0: i32, %arg1: i32, %arg2: memref<2x10000x32xf32, #tpu.memory_space<hbm>>, %arg3: memref<2x320000xi32, #tpu.memory_space<hbm>>, %arg4: memref<10112x32xf32, #tpu.memory_space<hbm>>, %arg5: memref<2x10112x32xf32, #tpu.memory_space<hbm>>, %arg6: memref<20000xi32, #tpu.memory_space<vmem>>, %arg7: memref<20000xi32, #tpu.memory_space<vmem>>, %arg8: memref<4x128x32xf32, #tpu.memory_space<vmem>>, %arg9: memref<32x32xf32, #tpu.memory_space<vmem>>, %arg10: memref<10112x32xf32, #tpu.memory_space<vmem_shared>>, %arg11: memref<!tpu.dma_semaphore, #tpu.memory_space<semaphore_mem>>, %arg12: memref<!tpu.dma_semaphore, #tpu.memory_space<semaphore_mem>>, %arg13: memref<!tpu.dma_semaphore, #tpu.memory_space<semaphore_mem>>, %arg14: memref<!tpu.dma_semaphore, #tpu.memory_space<semaphore_mem>>) attributes {dimension_semantics = [#tpu.dimension_semantics<core_parallel>, #tpu.dimension_semantics<subcore_parallel>], iteration_bounds = array<i64: 2, 16>, scalar_prefetch = 0 : i64, scratch_operands = 9 : i64, tpu.core_type = #tpu.core_type<sc_vector_subcore>, window_params = [{transform_indices = #map}, {transform_indices = #map1}, {transform_indices = #map1}, {transform_indices = #map}]} {
    %mul3A = arith.constant 632 : i32
    %mul3A_0 = arith.muli %arg1, %mul3A : i32
    "tpu.region"() ({
      %run_scoped3A_83 = tpu.sem_alloc : memref<!tpu.dma_semaphore, #tpu.memory_space<semaphore_mem>>
      %dma_start3A_84 = arith.constant 0 : i32
      %dma_start3A_85 = tpu.memref_slice %arg10[%mul3A_0, %dma_start3A_84] : memref<10112x32xf32, #tpu.memory_space<vmem_shared>> -> memref<632x32xf32, #tpu.memory_space<vmem_shared>>
      %dma_start3A_86 = arith.constant 0 : i32
      %dma_start3A_87 = tpu.memref_slice %arg4[%mul3A_0, %dma_start3A_86] : memref<10112x32xf32, #tpu.memory_space<hbm>> -> memref<632x32xf32, #tpu.memory_space<hbm>>
      tpu.enqueue_dma source(%dma_start3A_87 : memref<632x32xf32, #tpu.memory_space<hbm>>) target(%dma_start3A_85 : memref<632x32xf32, #tpu.memory_space<vmem_shared>>) target_semaphore(%run_scoped3A_83 : memref<!tpu.dma_semaphore, #tpu.memory_space<semaphore_mem>>)
      %dma_wait3A_88 = arith.constant 0 : i32
      %dma_wait3A_89 = tpu.memref_slice %arg10[%mul3A_0, %dma_wait3A_88] : memref<10112x32xf32, #tpu.memory_space<vmem_shared>> -> memref<632x32xf32, #tpu.memory_space<vmem_shared>>
      %dma_wait3A_90 = arith.constant 0 : i32
      %dma_wait3A_91 = tpu.memref_slice %arg4[%mul3A_0, %dma_wait3A_90] : memref<10112x32xf32, #tpu.memory_space<hbm>> -> memref<632x32xf32, #tpu.memory_space<hbm>>
      tpu.wait_dma2 semaphore(%run_scoped3A_83 : memref<!tpu.dma_semaphore, #tpu.memory_space<semaphore_mem>>) src(%dma_wait3A_91 : memref<632x32xf32, #tpu.memory_space<hbm>>) dst(%dma_wait3A_89 : memref<632x32xf32, #tpu.memory_space<vmem_shared>>)
      tpu.yield
    }) : () -> ()
    %mul3A_1 = arith.constant 20000 : i32
    %mul3A_2 = arith.muli %arg1, %mul3A_1 : i32
    %run_scoped3A = arith.constant 0 : i32
    "tpu.region"() ({
      %run_scoped3A_83 = tpu.sem_alloc : memref<!tpu.dma_semaphore, #tpu.memory_space<semaphore_mem>>
      %dma_start3A_84 = tpu.memref_slice %arg3[%run_scoped3A, %mul3A_2] : memref<2x320000xi32, #tpu.memory_space<hbm>> -> memref<1x20000xi32, #tpu.memory_space<hbm>>
      %dma_start3A_85 = tpu.memref_squeeze %dma_start3A_84 : memref<1x20000xi32, #tpu.memory_space<hbm>> -> memref<20000xi32, #tpu.memory_space<hbm>>
      %dma_start3A_86 = tpu.memref_slice %arg3[%run_scoped3A, %mul3A_2] : memref<2x320000xi32, #tpu.memory_space<hbm>> -> memref<1x20000xi32, #tpu.memory_space<hbm>>
      %dma_start3A_87 = tpu.memref_squeeze %dma_start3A_86 : memref<1x20000xi32, #tpu.memory_space<hbm>> -> memref<20000xi32, #tpu.memory_space<hbm>>
      tpu.enqueue_dma source(%dma_start3A_87 : memref<20000xi32, #tpu.memory_space<hbm>>) target(%arg6 : memref<20000xi32, #tpu.memory_space<vmem>>) target_semaphore(%run_scoped3A_83 : memref<!tpu.dma_semaphore, #tpu.memory_space<semaphore_mem>>)
      %dma_wait3A_88 = tpu.memref_slice %arg3[%run_scoped3A, %mul3A_2] : memref<2x320000xi32, #tpu.memory_space<hbm>> -> memref<1x20000xi32, #tpu.memory_space<hbm>>
      %dma_wait3A_89 = tpu.memref_squeeze %dma_wait3A_88 : memref<1x20000xi32, #tpu.memory_space<hbm>> -> memref<20000xi32, #tpu.memory_space<hbm>>
      %dma_wait3A_90 = tpu.memref_slice %arg3[%run_scoped3A, %mul3A_2] : memref<2x320000xi32, #tpu.memory_space<hbm>> -> memref<1x20000xi32, #tpu.memory_space<hbm>>
      %dma_wait3A_91 = tpu.memref_squeeze %dma_wait3A_90 : memref<1x20000xi32, #tpu.memory_space<hbm>> -> memref<20000xi32, #tpu.memory_space<hbm>>
      tpu.wait_dma2 semaphore(%run_scoped3A_83 : memref<!tpu.dma_semaphore, #tpu.memory_space<semaphore_mem>>) src(%dma_wait3A_91 : memref<20000xi32, #tpu.memory_space<hbm>>) dst(%arg6 : memref<20000xi32, #tpu.memory_space<vmem>>)
      tpu.yield
    }) : () -> ()
    %run_scoped3A_3 = arith.constant 1 : i32
    "tpu.region"() ({
      %run_scoped3A_83 = tpu.sem_alloc : memref<!tpu.dma_semaphore, #tpu.memory_space<semaphore_mem>>
      %dma_start3A_84 = tpu.memref_slice %arg3[%run_scoped3A_3, %mul3A_2] : memref<2x320000xi32, #tpu.memory_space<hbm>> -> memref<1x20000xi32, #tpu.memory_space<hbm>>
      %dma_start3A_85 = tpu.memref_squeeze %dma_start3A_84 : memref<1x20000xi32, #tpu.memory_space<hbm>> -> memref<20000xi32, #tpu.memory_space<hbm>>
      %dma_start3A_86 = tpu.memref_slice %arg3[%run_scoped3A_3, %mul3A_2] : memref<2x320000xi32, #tpu.memory_space<hbm>> -> memref<1x20000xi32, #tpu.memory_space<hbm>>
      %dma_start3A_87 = tpu.memref_squeeze %dma_start3A_86 : memref<1x20000xi32, #tpu.memory_space<hbm>> -> memref<20000xi32, #tpu.memory_space<hbm>>
      tpu.enqueue_dma source(%dma_start3A_87 : memref<20000xi32, #tpu.memory_space<hbm>>) target(%arg7 : memref<20000xi32, #tpu.memory_space<vmem>>) target_semaphore(%run_scoped3A_83 : memref<!tpu.dma_semaphore, #tpu.memory_space<semaphore_mem>>)
      %dma_wait3A_88 = tpu.memref_slice %arg3[%run_scoped3A_3, %mul3A_2] : memref<2x320000xi32, #tpu.memory_space<hbm>> -> memref<1x20000xi32, #tpu.memory_space<hbm>>
      %dma_wait3A_89 = tpu.memref_squeeze %dma_wait3A_88 : memref<1x20000xi32, #tpu.memory_space<hbm>> -> memref<20000xi32, #tpu.memory_space<hbm>>
      %dma_wait3A_90 = tpu.memref_slice %arg3[%run_scoped3A_3, %mul3A_2] : memref<2x320000xi32, #tpu.memory_space<hbm>> -> memref<1x20000xi32, #tpu.memory_space<hbm>>
      %dma_wait3A_91 = tpu.memref_squeeze %dma_wait3A_90 : memref<1x20000xi32, #tpu.memory_space<hbm>> -> memref<20000xi32, #tpu.memory_space<hbm>>
      tpu.wait_dma2 semaphore(%run_scoped3A_83 : memref<!tpu.dma_semaphore, #tpu.memory_space<semaphore_mem>>) src(%dma_wait3A_91 : memref<20000xi32, #tpu.memory_space<hbm>>) dst(%arg7 : memref<20000xi32, #tpu.memory_space<vmem>>)
      tpu.yield
    }) : () -> ()
    %barrier3A = arith.constant 0 : index
    tpu.barrier barrier_id(%barrier3A)
    %dma_start3A = arith.constant 0 : i32
    %dma_start3A_4 = arith.constant 0 : i32
    %dma_start3A_5 = arith.constant 0 : i32
    %dma_start3A_6 = tpu.memref_slice %arg8[%dma_start3A, %dma_start3A_4, %dma_start3A_5] : memref<4x128x32xf32, #tpu.memory_space<vmem>> -> memref<1x128x32xf32, #tpu.memory_space<vmem>>
    %dma_start3A_7 = tpu.memref_squeeze %dma_start3A_6 : memref<1x128x32xf32, #tpu.memory_space<vmem>> -> memref<128x32xf32, #tpu.memory_space<vmem>>
    %dma_start3A_8 = arith.constant 0 : i32
    %dma_start3A_9 = tpu.memref_slice %arg6[%dma_start3A_8] : memref<20000xi32, #tpu.memory_space<vmem>> -> memref<128xi32, #tpu.memory_space<vmem>>
    %dma_start3A_10 = arith.constant 0 : i32
    %dma_start3A_11 = arith.constant 0 : i32
    %dma_start3A_12 = tpu.memref_slice %arg2[%arg0, %dma_start3A_10, %dma_start3A_11] : memref<2x10000x32xf32, #tpu.memory_space<hbm>> -> memref<1x10000x32xf32, #tpu.memory_space<hbm>>
    %dma_start3A_13 = tpu.memref_squeeze %dma_start3A_12 : memref<1x10000x32xf32, #tpu.memory_space<hbm>> -> memref<10000x32xf32, #tpu.memory_space<hbm>>
    %dma_start3A_14 = arith.constant 0 : i32
    %dma_start3A_15 = arith.constant 0 : i32
    %dma_start3A_16 = tpu.memref_slice %dma_start3A_13[%dma_start3A_14, %dma_start3A_15] : memref<10000x32xf32, #tpu.memory_space<hbm>> -> memref<10000x32xf32, #tpu.memory_space<hbm>>
    tpu.enqueue_indirect_dma source(%dma_start3A_16 : memref<10000x32xf32, #tpu.memory_space<hbm>>) target(%dma_start3A_7 : memref<128x32xf32, #tpu.memory_space<vmem>>) offsets(%dma_start3A_9 : memref<128xi32, #tpu.memory_space<vmem>>) semaphore(%arg11 : memref<!tpu.dma_semaphore, #tpu.memory_space<semaphore_mem>>)
    %dma_start3A_17 = arith.constant 1 : i32
    %dma_start3A_18 = arith.constant 0 : i32
    %dma_start3A_19 = arith.constant 0 : i32
    %dma_start3A_20 = tpu.memref_slice %arg8[%dma_start3A_17, %dma_start3A_18, %dma_start3A_19] : memref<4x128x32xf32, #tpu.memory_space<vmem>> -> memref<1x128x32xf32, #tpu.memory_space<vmem>>
    %dma_start3A_21 = tpu.memref_squeeze %dma_start3A_20 : memref<1x128x32xf32, #tpu.memory_space<vmem>> -> memref<128x32xf32, #tpu.memory_space<vmem>>
    %dma_start3A_22 = arith.constant 128 : i32
    %dma_start3A_23 = tpu.memref_slice %arg6[%dma_start3A_22] : memref<20000xi32, #tpu.memory_space<vmem>> -> memref<128xi32, #tpu.memory_space<vmem>>
    %dma_start3A_24 = arith.constant 0 : i32
    %dma_start3A_25 = arith.constant 0 : i32
    %dma_start3A_26 = tpu.memref_slice %arg2[%arg0, %dma_start3A_24, %dma_start3A_25] : memref<2x10000x32xf32, #tpu.memory_space<hbm>> -> memref<1x10000x32xf32, #tpu.memory_space<hbm>>
    %dma_start3A_27 = tpu.memref_squeeze %dma_start3A_26 : memref<1x10000x32xf32, #tpu.memory_space<hbm>> -> memref<10000x32xf32, #tpu.memory_space<hbm>>
    %dma_start3A_28 = arith.constant 0 : i32
    %dma_start3A_29 = arith.constant 0 : i32
    %dma_start3A_30 = tpu.memref_slice %dma_start3A_27[%dma_start3A_28, %dma_start3A_29] : memref<10000x32xf32, #tpu.memory_space<hbm>> -> memref<10000x32xf32, #tpu.memory_space<hbm>>
    tpu.enqueue_indirect_dma source(%dma_start3A_30 : memref<10000x32xf32, #tpu.memory_space<hbm>>) target(%dma_start3A_21 : memref<128x32xf32, #tpu.memory_space<vmem>>) offsets(%dma_start3A_23 : memref<128xi32, #tpu.memory_space<vmem>>) semaphore(%arg12 : memref<!tpu.dma_semaphore, #tpu.memory_space<semaphore_mem>>)
    %dma_start3A_31 = arith.constant 2 : i32
    %dma_start3A_32 = arith.constant 0 : i32
    %dma_start3A_33 = arith.constant 0 : i32
    %dma_start3A_34 = tpu.memref_slice %arg8[%dma_start3A_31, %dma_start3A_32, %dma_start3A_33] : memref<4x128x32xf32, #tpu.memory_space<vmem>> -> memref<1x128x32xf32, #tpu.memory_space<vmem>>
    %dma_start3A_35 = tpu.memref_squeeze %dma_start3A_34 : memref<1x128x32xf32, #tpu.memory_space<vmem>> -> memref<128x32xf32, #tpu.memory_space<vmem>>
    %dma_start3A_36 = arith.constant 256 : i32
    %dma_start3A_37 = tpu.memref_slice %arg6[%dma_start3A_36] : memref<20000xi32, #tpu.memory_space<vmem>> -> memref<128xi32, #tpu.memory_space<vmem>>
    %dma_start3A_38 = arith.constant 0 : i32
    %dma_start3A_39 = arith.constant 0 : i32
    %dma_start3A_40 = tpu.memref_slice %arg2[%arg0, %dma_start3A_38, %dma_start3A_39] : memref<2x10000x32xf32, #tpu.memory_space<hbm>> -> memref<1x10000x32xf32, #tpu.memory_space<hbm>>
    %dma_start3A_41 = tpu.memref_squeeze %dma_start3A_40 : memref<1x10000x32xf32, #tpu.memory_space<hbm>> -> memref<10000x32xf32, #tpu.memory_space<hbm>>
    %dma_start3A_42 = arith.constant 0 : i32
    %dma_start3A_43 = arith.constant 0 : i32
    %dma_start3A_44 = tpu.memref_slice %dma_start3A_41[%dma_start3A_42, %dma_start3A_43] : memref<10000x32xf32, #tpu.memory_space<hbm>> -> memref<10000x32xf32, #tpu.memory_space<hbm>>
    tpu.enqueue_indirect_dma source(%dma_start3A_44 : memref<10000x32xf32, #tpu.memory_space<hbm>>) target(%dma_start3A_35 : memref<128x32xf32, #tpu.memory_space<vmem>>) offsets(%dma_start3A_37 : memref<128xi32, #tpu.memory_space<vmem>>) semaphore(%arg13 : memref<!tpu.dma_semaphore, #tpu.memory_space<semaphore_mem>>)
    %dma_start3A_45 = arith.constant 3 : i32
    %dma_start3A_46 = arith.constant 0 : i32
    %dma_start3A_47 = arith.constant 0 : i32
    %dma_start3A_48 = tpu.memref_slice %arg8[%dma_start3A_45, %dma_start3A_46, %dma_start3A_47] : memref<4x128x32xf32, #tpu.memory_space<vmem>> -> memref<1x128x32xf32, #tpu.memory_space<vmem>>
    %dma_start3A_49 = tpu.memref_squeeze %dma_start3A_48 : memref<1x128x32xf32, #tpu.memory_space<vmem>> -> memref<128x32xf32, #tpu.memory_space<vmem>>
    %dma_start3A_50 = arith.constant 384 : i32
    %dma_start3A_51 = tpu.memref_slice %arg6[%dma_start3A_50] : memref<20000xi32, #tpu.memory_space<vmem>> -> memref<128xi32, #tpu.memory_space<vmem>>
    %dma_start3A_52 = arith.constant 0 : i32
    %dma_start3A_53 = arith.constant 0 : i32
    %dma_start3A_54 = tpu.memref_slice %arg2[%arg0, %dma_start3A_52, %dma_start3A_53] : memref<2x10000x32xf32, #tpu.memory_space<hbm>> -> memref<1x10000x32xf32, #tpu.memory_space<hbm>>
    %dma_start3A_55 = tpu.memref_squeeze %dma_start3A_54 : memref<1x10000x32xf32, #tpu.memory_space<hbm>> -> memref<10000x32xf32, #tpu.memory_space<hbm>>
    %dma_start3A_56 = arith.constant 0 : i32
    %dma_start3A_57 = arith.constant 0 : i32
    %dma_start3A_58 = tpu.memref_slice %dma_start3A_55[%dma_start3A_56, %dma_start3A_57] : memref<10000x32xf32, #tpu.memory_space<hbm>> -> memref<10000x32xf32, #tpu.memory_space<hbm>>
    tpu.enqueue_indirect_dma source(%dma_start3A_58 : memref<10000x32xf32, #tpu.memory_space<hbm>>) target(%dma_start3A_49 : memref<128x32xf32, #tpu.memory_space<vmem>>) offsets(%dma_start3A_51 : memref<128xi32, #tpu.memory_space<vmem>>) semaphore(%arg14 : memref<!tpu.dma_semaphore, #tpu.memory_space<semaphore_mem>>)
    %scan3A = arith.constant 0 : i32
    %scan3A_59 = arith.constant 0 : i32
    %scan3A_60 = arith.constant 39 : i32
    %scan3A_61 = arith.addi %scan3A_59, %scan3A_60 : i32
    %scan3A_62 = arith.constant 1 : i32
    %scan3A_63 = scf.for %scan3A_83 = %scan3A_59 to %scan3A_61 step %scan3A_62 iter_args(%scan3A_84 = %scan3A) -> (i32)  : i32 {
      %mul3A_85 = arith.constant 4 : i32
      %mul3A_86 = arith.muli %mul3A_85, %scan3A_83 : i32
      %add3A = arith.constant 0 : i32
      %add3A_87 = arith.addi %mul3A_86, %add3A : i32
      %mul3A_88 = arith.constant 128 : i32
      %mul3A_89 = arith.muli %add3A_87, %mul3A_88 : i32
      %dma_wait3A_90 = arith.constant 0 : i32
      %dma_wait3A_91 = arith.constant 0 : i32
      %dma_wait3A_92 = arith.constant 0 : i32
      %dma_wait3A_93 = tpu.memref_slice %arg8[%dma_wait3A_90, %dma_wait3A_91, %dma_wait3A_92] : memref<4x128x32xf32, #tpu.memory_space<vmem>> -> memref<1x128x32xf32, #tpu.memory_space<vmem>>
      %dma_wait3A_94 = tpu.memref_squeeze %dma_wait3A_93 : memref<1x128x32xf32, #tpu.memory_space<vmem>> -> memref<128x32xf32, #tpu.memory_space<vmem>>
      %dma_wait3A_95 = tpu.memref_slice %arg6[%mul3A_89] : memref<20000xi32, #tpu.memory_space<vmem>> -> memref<128xi32, #tpu.memory_space<vmem>>
      %dma_wait3A_96 = arith.constant 0 : i32
      %dma_wait3A_97 = arith.constant 0 : i32
      %dma_wait3A_98 = tpu.memref_slice %arg2[%arg0, %dma_wait3A_96, %dma_wait3A_97] : memref<2x10000x32xf32, #tpu.memory_space<hbm>> -> memref<1x10000x32xf32, #tpu.memory_space<hbm>>
      %dma_wait3A_99 = tpu.memref_squeeze %dma_wait3A_98 : memref<1x10000x32xf32, #tpu.memory_space<hbm>> -> memref<10000x32xf32, #tpu.memory_space<hbm>>
      %dma_wait3A_100 = arith.constant 0 : i32
      %dma_wait3A_101 = arith.constant 0 : i32
      %dma_wait3A_102 = tpu.memref_slice %dma_wait3A_99[%dma_wait3A_100, %dma_wait3A_101] : memref<10000x32xf32, #tpu.memory_space<hbm>> -> memref<10000x32xf32, #tpu.memory_space<hbm>>
      tpu.wait_indirect_dma semaphore(%arg11 : memref<!tpu.dma_semaphore, #tpu.memory_space<semaphore_mem>>) src(%dma_wait3A_102 : memref<10000x32xf32, #tpu.memory_space<hbm>>) dst(%dma_wait3A_94 : memref<128x32xf32, #tpu.memory_space<vmem>>)
      %mul3A_103 = arith.constant 128 : i32
      %mul3A_104 = arith.muli %add3A_87, %mul3A_103 : i32
      %run_scoped3A_105 = arith.constant 0 : i32
      "tpu.region"() ({
        %run_scoped3A_198 = tpu.sem_alloc : memref<!tpu.dma_semaphore, #tpu.memory_space<semaphore_mem>>
        %dma_start3A_199 = arith.constant 0 : i32
        %dma_start3A_200 = arith.constant 0 : i32
        %dma_start3A_201 = tpu.memref_slice %arg8[%run_scoped3A_105, %dma_start3A_199, %dma_start3A_200] : memref<4x128x32xf32, #tpu.memory_space<vmem>> -> memref<1x128x32xf32, #tpu.memory_space<vmem>>
        %dma_start3A_202 = tpu.memref_squeeze %dma_start3A_201 : memref<1x128x32xf32, #tpu.memory_space<vmem>> -> memref<128x32xf32, #tpu.memory_space<vmem>>
        %dma_start3A_203 = tpu.memref_slice %arg7[%mul3A_104] : memref<20000xi32, #tpu.memory_space<vmem>> -> memref<128xi32, #tpu.memory_space<vmem>>
        %dma_start3A_204 = arith.constant 0 : i32
        %dma_start3A_205 = arith.constant 0 : i32
        %dma_start3A_206 = tpu.memref_slice %arg10[%dma_start3A_204, %dma_start3A_205] : memref<10112x32xf32, #tpu.memory_space<vmem_shared>> -> memref<10112x32xf32, #tpu.memory_space<vmem_shared>>
        tpu.enqueue_indirect_dma source(%dma_start3A_202 : memref<128x32xf32, #tpu.memory_space<vmem>>) target(%dma_start3A_206 : memref<10112x32xf32, #tpu.memory_space<vmem_shared>>) offsets(%dma_start3A_203 : memref<128xi32, #tpu.memory_space<vmem>>) semaphore(%run_scoped3A_198 : memref<!tpu.dma_semaphore, #tpu.memory_space<semaphore_mem>>) {add = true}
        %dma_wait3A_207 = arith.constant 0 : i32
        %dma_wait3A_208 = arith.constant 0 : i32
        %dma_wait3A_209 = tpu.memref_slice %arg8[%run_scoped3A_105, %dma_wait3A_207, %dma_wait3A_208] : memref<4x128x32xf32, #tpu.memory_space<vmem>> -> memref<1x128x32xf32, #tpu.memory_space<vmem>>
        %dma_wait3A_210 = tpu.memref_squeeze %dma_wait3A_209 : memref<1x128x32xf32, #tpu.memory_space<vmem>> -> memref<128x32xf32, #tpu.memory_space<vmem>>
        %dma_wait3A_211 = tpu.memref_slice %arg7[%mul3A_104] : memref<20000xi32, #tpu.memory_space<vmem>> -> memref<128xi32, #tpu.memory_space<vmem>>
        %dma_wait3A_212 = arith.constant 0 : i32
        %dma_wait3A_213 = arith.constant 0 : i32
        %dma_wait3A_214 = tpu.memref_slice %arg10[%dma_wait3A_212, %dma_wait3A_213] : memref<10112x32xf32, #tpu.memory_space<vmem_shared>> -> memref<10112x32xf32, #tpu.memory_space<vmem_shared>>
        tpu.wait_indirect_dma semaphore(%run_scoped3A_198 : memref<!tpu.dma_semaphore, #tpu.memory_space<semaphore_mem>>) src(%dma_wait3A_210 : memref<128x32xf32, #tpu.memory_space<vmem>>) dst(%dma_wait3A_214 : memref<10112x32xf32, #tpu.memory_space<vmem_shared>>)
        tpu.yield
      }) : () -> ()
      %add3A_106 = arith.constant 4 : i32
      %add3A_107 = arith.addi %add3A_87, %add3A_106 : i32
      %lt3A = arith.constant 156 : i32
      %lt3A_108 = arith.cmpi slt, %add3A_107, %lt3A : i32
      %convert_element_type3A = arith.extui %lt3A_108 : i1 to i32
      %cond3A = arith.constant 0 : i32
      %cond3A_109 = arith.cmpi ne, %convert_element_type3A, %cond3A : i32
      scf.if %cond3A_109 {
        %add3A_198 = arith.constant 4 : i32
        %add3A_199 = arith.addi %add3A_87, %add3A_198 : i32
        %mul3A_200 = arith.constant 128 : i32
        %mul3A_201 = arith.muli %add3A_199, %mul3A_200 : i32
        %dma_start3A_202 = arith.constant 0 : i32
        %dma_start3A_203 = arith.constant 0 : i32
        %dma_start3A_204 = arith.constant 0 : i32
        %dma_start3A_205 = tpu.memref_slice %arg8[%dma_start3A_202, %dma_start3A_203, %dma_start3A_204] : memref<4x128x32xf32, #tpu.memory_space<vmem>> -> memref<1x128x32xf32, #tpu.memory_space<vmem>>
        %dma_start3A_206 = tpu.memref_squeeze %dma_start3A_205 : memref<1x128x32xf32, #tpu.memory_space<vmem>> -> memref<128x32xf32, #tpu.memory_space<vmem>>
        %dma_start3A_207 = tpu.memref_slice %arg6[%mul3A_201] : memref<20000xi32, #tpu.memory_space<vmem>> -> memref<128xi32, #tpu.memory_space<vmem>>
        %dma_start3A_208 = arith.constant 0 : i32
        %dma_start3A_209 = arith.constant 0 : i32
        %dma_start3A_210 = tpu.memref_slice %arg2[%arg0, %dma_start3A_208, %dma_start3A_209] : memref<2x10000x32xf32, #tpu.memory_space<hbm>> -> memref<1x10000x32xf32, #tpu.memory_space<hbm>>
        %dma_start3A_211 = tpu.memref_squeeze %dma_start3A_210 : memref<1x10000x32xf32, #tpu.memory_space<hbm>> -> memref<10000x32xf32, #tpu.memory_space<hbm>>
        %dma_start3A_212 = arith.constant 0 : i32
        %dma_start3A_213 = arith.constant 0 : i32
        %dma_start3A_214 = tpu.memref_slice %dma_start3A_211[%dma_start3A_212, %dma_start3A_213] : memref<10000x32xf32, #tpu.memory_space<hbm>> -> memref<10000x32xf32, #tpu.memory_space<hbm>>
        tpu.enqueue_indirect_dma source(%dma_start3A_214 : memref<10000x32xf32, #tpu.memory_space<hbm>>) target(%dma_start3A_206 : memref<128x32xf32, #tpu.memory_space<vmem>>) offsets(%dma_start3A_207 : memref<128xi32, #tpu.memory_space<vmem>>) semaphore(%arg11 : memref<!tpu.dma_semaphore, #tpu.memory_space<semaphore_mem>>)
      } else {
      }
      %mul3A_110 = arith.constant 4 : i32
      %mul3A_111 = arith.muli %mul3A_110, %scan3A_83 : i32
      %add3A_112 = arith.constant 1 : i32
      %add3A_113 = arith.addi %mul3A_111, %add3A_112 : i32
      %mul3A_114 = arith.constant 128 : i32
      %mul3A_115 = arith.muli %add3A_113, %mul3A_114 : i32
      %dma_wait3A_116 = arith.constant 1 : i32
      %dma_wait3A_117 = arith.constant 0 : i32
      %dma_wait3A_118 = arith.constant 0 : i32
      %dma_wait3A_119 = tpu.memref_slice %arg8[%dma_wait3A_116, %dma_wait3A_117, %dma_wait3A_118] : memref<4x128x32xf32, #tpu.memory_space<vmem>> -> memref<1x128x32xf32, #tpu.memory_space<vmem>>
      %dma_wait3A_120 = tpu.memref_squeeze %dma_wait3A_119 : memref<1x128x32xf32, #tpu.memory_space<vmem>> -> memref<128x32xf32, #tpu.memory_space<vmem>>
      %dma_wait3A_121 = tpu.memref_slice %arg6[%mul3A_115] : memref<20000xi32, #tpu.memory_space<vmem>> -> memref<128xi32, #tpu.memory_space<vmem>>
      %dma_wait3A_122 = arith.constant 0 : i32
      %dma_wait3A_123 = arith.constant 0 : i32
      %dma_wait3A_124 = tpu.memref_slice %arg2[%arg0, %dma_wait3A_122, %dma_wait3A_123] : memref<2x10000x32xf32, #tpu.memory_space<hbm>> -> memref<1x10000x32xf32, #tpu.memory_space<hbm>>
      %dma_wait3A_125 = tpu.memref_squeeze %dma_wait3A_124 : memref<1x10000x32xf32, #tpu.memory_space<hbm>> -> memref<10000x32xf32, #tpu.memory_space<hbm>>
      %dma_wait3A_126 = arith.constant 0 : i32
      %dma_wait3A_127 = arith.constant 0 : i32
      %dma_wait3A_128 = tpu.memref_slice %dma_wait3A_125[%dma_wait3A_126, %dma_wait3A_127] : memref<10000x32xf32, #tpu.memory_space<hbm>> -> memref<10000x32xf32, #tpu.memory_space<hbm>>
      tpu.wait_indirect_dma semaphore(%arg12 : memref<!tpu.dma_semaphore, #tpu.memory_space<semaphore_mem>>) src(%dma_wait3A_128 : memref<10000x32xf32, #tpu.memory_space<hbm>>) dst(%dma_wait3A_120 : memref<128x32xf32, #tpu.memory_space<vmem>>)
      %mul3A_129 = arith.constant 128 : i32
      %mul3A_130 = arith.muli %add3A_113, %mul3A_129 : i32
      %run_scoped3A_131 = arith.constant 1 : i32
      "tpu.region"() ({
        %run_scoped3A_198 = tpu.sem_alloc : memref<!tpu.dma_semaphore, #tpu.memory_space<semaphore_mem>>
        %dma_start3A_199 = arith.constant 0 : i32
        %dma_start3A_200 = arith.constant 0 : i32
        %dma_start3A_201 = tpu.memref_slice %arg8[%run_scoped3A_131, %dma_start3A_199, %dma_start3A_200] : memref<4x128x32xf32, #tpu.memory_space<vmem>> -> memref<1x128x32xf32, #tpu.memory_space<vmem>>
        %dma_start3A_202 = tpu.memref_squeeze %dma_start3A_201 : memref<1x128x32xf32, #tpu.memory_space<vmem>> -> memref<128x32xf32, #tpu.memory_space<vmem>>
        %dma_start3A_203 = tpu.memref_slice %arg7[%mul3A_130] : memref<20000xi32, #tpu.memory_space<vmem>> -> memref<128xi32, #tpu.memory_space<vmem>>
        %dma_start3A_204 = arith.constant 0 : i32
        %dma_start3A_205 = arith.constant 0 : i32
        %dma_start3A_206 = tpu.memref_slice %arg10[%dma_start3A_204, %dma_start3A_205] : memref<10112x32xf32, #tpu.memory_space<vmem_shared>> -> memref<10112x32xf32, #tpu.memory_space<vmem_shared>>
        tpu.enqueue_indirect_dma source(%dma_start3A_202 : memref<128x32xf32, #tpu.memory_space<vmem>>) target(%dma_start3A_206 : memref<10112x32xf32, #tpu.memory_space<vmem_shared>>) offsets(%dma_start3A_203 : memref<128xi32, #tpu.memory_space<vmem>>) semaphore(%run_scoped3A_198 : memref<!tpu.dma_semaphore, #tpu.memory_space<semaphore_mem>>) {add = true}
        %dma_wait3A_207 = arith.constant 0 : i32
        %dma_wait3A_208 = arith.constant 0 : i32
        %dma_wait3A_209 = tpu.memref_slice %arg8[%run_scoped3A_131, %dma_wait3A_207, %dma_wait3A_208] : memref<4x128x32xf32, #tpu.memory_space<vmem>> -> memref<1x128x32xf32, #tpu.memory_space<vmem>>
        %dma_wait3A_210 = tpu.memref_squeeze %dma_wait3A_209 : memref<1x128x32xf32, #tpu.memory_space<vmem>> -> memref<128x32xf32, #tpu.memory_space<vmem>>
        %dma_wait3A_211 = tpu.memref_slice %arg7[%mul3A_130] : memref<20000xi32, #tpu.memory_space<vmem>> -> memref<128xi32, #tpu.memory_space<vmem>>
        %dma_wait3A_212 = arith.constant 0 : i32
        %dma_wait3A_213 = arith.constant 0 : i32
        %dma_wait3A_214 = tpu.memref_slice %arg10[%dma_wait3A_212, %dma_wait3A_213] : memref<10112x32xf32, #tpu.memory_space<vmem_shared>> -> memref<10112x32xf32, #tpu.memory_space<vmem_shared>>
        tpu.wait_indirect_dma semaphore(%run_scoped3A_198 : memref<!tpu.dma_semaphore, #tpu.memory_space<semaphore_mem>>) src(%dma_wait3A_210 : memref<128x32xf32, #tpu.memory_space<vmem>>) dst(%dma_wait3A_214 : memref<10112x32xf32, #tpu.memory_space<vmem_shared>>)
        tpu.yield
      }) : () -> ()
      %add3A_132 = arith.constant 4 : i32
      %add3A_133 = arith.addi %add3A_113, %add3A_132 : i32
      %lt3A_134 = arith.constant 156 : i32
      %lt3A_135 = arith.cmpi slt, %add3A_133, %lt3A_134 : i32
      %convert_element_type3A_136 = arith.extui %lt3A_135 : i1 to i32
      %cond3A_137 = arith.constant 0 : i32
      %cond3A_138 = arith.cmpi ne, %convert_element_type3A_136, %cond3A_137 : i32
      scf.if %cond3A_138 {
        %add3A_198 = arith.constant 4 : i32
        %add3A_199 = arith.addi %add3A_113, %add3A_198 : i32
        %mul3A_200 = arith.constant 128 : i32
        %mul3A_201 = arith.muli %add3A_199, %mul3A_200 : i32
        %dma_start3A_202 = arith.constant 1 : i32
        %dma_start3A_203 = arith.constant 0 : i32
        %dma_start3A_204 = arith.constant 0 : i32
        %dma_start3A_205 = tpu.memref_slice %arg8[%dma_start3A_202, %dma_start3A_203, %dma_start3A_204] : memref<4x128x32xf32, #tpu.memory_space<vmem>> -> memref<1x128x32xf32, #tpu.memory_space<vmem>>
        %dma_start3A_206 = tpu.memref_squeeze %dma_start3A_205 : memref<1x128x32xf32, #tpu.memory_space<vmem>> -> memref<128x32xf32, #tpu.memory_space<vmem>>
        %dma_start3A_207 = tpu.memref_slice %arg6[%mul3A_201] : memref<20000xi32, #tpu.memory_space<vmem>> -> memref<128xi32, #tpu.memory_space<vmem>>
        %dma_start3A_208 = arith.constant 0 : i32
        %dma_start3A_209 = arith.constant 0 : i32
        %dma_start3A_210 = tpu.memref_slice %arg2[%arg0, %dma_start3A_208, %dma_start3A_209] : memref<2x10000x32xf32, #tpu.memory_space<hbm>> -> memref<1x10000x32xf32, #tpu.memory_space<hbm>>
        %dma_start3A_211 = tpu.memref_squeeze %dma_start3A_210 : memref<1x10000x32xf32, #tpu.memory_space<hbm>> -> memref<10000x32xf32, #tpu.memory_space<hbm>>
        %dma_start3A_212 = arith.constant 0 : i32
        %dma_start3A_213 = arith.constant 0 : i32
        %dma_start3A_214 = tpu.memref_slice %dma_start3A_211[%dma_start3A_212, %dma_start3A_213] : memref<10000x32xf32, #tpu.memory_space<hbm>> -> memref<10000x32xf32, #tpu.memory_space<hbm>>
        tpu.enqueue_indirect_dma source(%dma_start3A_214 : memref<10000x32xf32, #tpu.memory_space<hbm>>) target(%dma_start3A_206 : memref<128x32xf32, #tpu.memory_space<vmem>>) offsets(%dma_start3A_207 : memref<128xi32, #tpu.memory_space<vmem>>) semaphore(%arg12 : memref<!tpu.dma_semaphore, #tpu.memory_space<semaphore_mem>>)
      } else {
      }
      %mul3A_139 = arith.constant 4 : i32
      %mul3A_140 = arith.muli %mul3A_139, %scan3A_83 : i32
      %add3A_141 = arith.constant 2 : i32
      %add3A_142 = arith.addi %mul3A_140, %add3A_141 : i32
      %mul3A_143 = arith.constant 128 : i32
      %mul3A_144 = arith.muli %add3A_142, %mul3A_143 : i32
      %dma_wait3A_145 = arith.constant 2 : i32
      %dma_wait3A_146 = arith.constant 0 : i32
      %dma_wait3A_147 = arith.constant 0 : i32
      %dma_wait3A_148 = tpu.memref_slice %arg8[%dma_wait3A_145, %dma_wait3A_146, %dma_wait3A_147] : memref<4x128x32xf32, #tpu.memory_space<vmem>> -> memref<1x128x32xf32, #tpu.memory_space<vmem>>
      %dma_wait3A_149 = tpu.memref_squeeze %dma_wait3A_148 : memref<1x128x32xf32, #tpu.memory_space<vmem>> -> memref<128x32xf32, #tpu.memory_space<vmem>>
      %dma_wait3A_150 = tpu.memref_slice %arg6[%mul3A_144] : memref<20000xi32, #tpu.memory_space<vmem>> -> memref<128xi32, #tpu.memory_space<vmem>>
      %dma_wait3A_151 = arith.constant 0 : i32
      %dma_wait3A_152 = arith.constant 0 : i32
      %dma_wait3A_153 = tpu.memref_slice %arg2[%arg0, %dma_wait3A_151, %dma_wait3A_152] : memref<2x10000x32xf32, #tpu.memory_space<hbm>> -> memref<1x10000x32xf32, #tpu.memory_space<hbm>>
      %dma_wait3A_154 = tpu.memref_squeeze %dma_wait3A_153 : memref<1x10000x32xf32, #tpu.memory_space<hbm>> -> memref<10000x32xf32, #tpu.memory_space<hbm>>
      %dma_wait3A_155 = arith.constant 0 : i32
      %dma_wait3A_156 = arith.constant 0 : i32
      %dma_wait3A_157 = tpu.memref_slice %dma_wait3A_154[%dma_wait3A_155, %dma_wait3A_156] : memref<10000x32xf32, #tpu.memory_space<hbm>> -> memref<10000x32xf32, #tpu.memory_space<hbm>>
      tpu.wait_indirect_dma semaphore(%arg13 : memref<!tpu.dma_semaphore, #tpu.memory_space<semaphore_mem>>) src(%dma_wait3A_157 : memref<10000x32xf32, #tpu.memory_space<hbm>>) dst(%dma_wait3A_149 : memref<128x32xf32, #tpu.memory_space<vmem>>)
      %mul3A_158 = arith.constant 128 : i32
      %mul3A_159 = arith.muli %add3A_142, %mul3A_158 : i32
      %run_scoped3A_160 = arith.constant 2 : i32
      "tpu.region"() ({
        %run_scoped3A_198 = tpu.sem_alloc : memref<!tpu.dma_semaphore, #tpu.memory_space<semaphore_mem>>
        %dma_start3A_199 = arith.constant 0 : i32
        %dma_start3A_200 = arith.constant 0 : i32
        %dma_start3A_201 = tpu.memref_slice %arg8[%run_scoped3A_160, %dma_start3A_199, %dma_start3A_200] : memref<4x128x32xf32, #tpu.memory_space<vmem>> -> memref<1x128x32xf32, #tpu.memory_space<vmem>>
        %dma_start3A_202 = tpu.memref_squeeze %dma_start3A_201 : memref<1x128x32xf32, #tpu.memory_space<vmem>> -> memref<128x32xf32, #tpu.memory_space<vmem>>
        %dma_start3A_203 = tpu.memref_slice %arg7[%mul3A_159] : memref<20000xi32, #tpu.memory_space<vmem>> -> memref<128xi32, #tpu.memory_space<vmem>>
        %dma_start3A_204 = arith.constant 0 : i32
        %dma_start3A_205 = arith.constant 0 : i32
        %dma_start3A_206 = tpu.memref_slice %arg10[%dma_start3A_204, %dma_start3A_205] : memref<10112x32xf32, #tpu.memory_space<vmem_shared>> -> memref<10112x32xf32, #tpu.memory_space<vmem_shared>>
        tpu.enqueue_indirect_dma source(%dma_start3A_202 : memref<128x32xf32, #tpu.memory_space<vmem>>) target(%dma_start3A_206 : memref<10112x32xf32, #tpu.memory_space<vmem_shared>>) offsets(%dma_start3A_203 : memref<128xi32, #tpu.memory_space<vmem>>) semaphore(%run_scoped3A_198 : memref<!tpu.dma_semaphore, #tpu.memory_space<semaphore_mem>>) {add = true}
        %dma_wait3A_207 = arith.constant 0 : i32
        %dma_wait3A_208 = arith.constant 0 : i32
        %dma_wait3A_209 = tpu.memref_slice %arg8[%run_scoped3A_160, %dma_wait3A_207, %dma_wait3A_208] : memref<4x128x32xf32, #tpu.memory_space<vmem>> -> memref<1x128x32xf32, #tpu.memory_space<vmem>>
        %dma_wait3A_210 = tpu.memref_squeeze %dma_wait3A_209 : memref<1x128x32xf32, #tpu.memory_space<vmem>> -> memref<128x32xf32, #tpu.memory_space<vmem>>
        %dma_wait3A_211 = tpu.memref_slice %arg7[%mul3A_159] : memref<20000xi32, #tpu.memory_space<vmem>> -> memref<128xi32, #tpu.memory_space<vmem>>
        %dma_wait3A_212 = arith.constant 0 : i32
        %dma_wait3A_213 = arith.constant 0 : i32
        %dma_wait3A_214 = tpu.memref_slice %arg10[%dma_wait3A_212, %dma_wait3A_213] : memref<10112x32xf32, #tpu.memory_space<vmem_shared>> -> memref<10112x32xf32, #tpu.memory_space<vmem_shared>>
        tpu.wait_indirect_dma semaphore(%run_scoped3A_198 : memref<!tpu.dma_semaphore, #tpu.memory_space<semaphore_mem>>) src(%dma_wait3A_210 : memref<128x32xf32, #tpu.memory_space<vmem>>) dst(%dma_wait3A_214 : memref<10112x32xf32, #tpu.memory_space<vmem_shared>>)
        tpu.yield
      }) : () -> ()
      %add3A_161 = arith.constant 4 : i32
      %add3A_162 = arith.addi %add3A_142, %add3A_161 : i32
      %lt3A_163 = arith.constant 156 : i32
      %lt3A_164 = arith.cmpi slt, %add3A_162, %lt3A_163 : i32
      %convert_element_type3A_165 = arith.extui %lt3A_164 : i1 to i32
      %cond3A_166 = arith.constant 0 : i32
      %cond3A_167 = arith.cmpi ne, %convert_element_type3A_165, %cond3A_166 : i32
      scf.if %cond3A_167 {
        %add3A_198 = arith.constant 4 : i32
        %add3A_199 = arith.addi %add3A_142, %add3A_198 : i32
        %mul3A_200 = arith.constant 128 : i32
        %mul3A_201 = arith.muli %add3A_199, %mul3A_200 : i32
        %dma_start3A_202 = arith.constant 2 : i32
        %dma_start3A_203 = arith.constant 0 : i32
        %dma_start3A_204 = arith.constant 0 : i32
        %dma_start3A_205 = tpu.memref_slice %arg8[%dma_start3A_202, %dma_start3A_203, %dma_start3A_204] : memref<4x128x32xf32, #tpu.memory_space<vmem>> -> memref<1x128x32xf32, #tpu.memory_space<vmem>>
        %dma_start3A_206 = tpu.memref_squeeze %dma_start3A_205 : memref<1x128x32xf32, #tpu.memory_space<vmem>> -> memref<128x32xf32, #tpu.memory_space<vmem>>
        %dma_start3A_207 = tpu.memref_slice %arg6[%mul3A_201] : memref<20000xi32, #tpu.memory_space<vmem>> -> memref<128xi32, #tpu.memory_space<vmem>>
        %dma_start3A_208 = arith.constant 0 : i32
        %dma_start3A_209 = arith.constant 0 : i32
        %dma_start3A_210 = tpu.memref_slice %arg2[%arg0, %dma_start3A_208, %dma_start3A_209] : memref<2x10000x32xf32, #tpu.memory_space<hbm>> -> memref<1x10000x32xf32, #tpu.memory_space<hbm>>
        %dma_start3A_211 = tpu.memref_squeeze %dma_start3A_210 : memref<1x10000x32xf32, #tpu.memory_space<hbm>> -> memref<10000x32xf32, #tpu.memory_space<hbm>>
        %dma_start3A_212 = arith.constant 0 : i32
        %dma_start3A_213 = arith.constant 0 : i32
        %dma_start3A_214 = tpu.memref_slice %dma_start3A_211[%dma_start3A_212, %dma_start3A_213] : memref<10000x32xf32, #tpu.memory_space<hbm>> -> memref<10000x32xf32, #tpu.memory_space<hbm>>
        tpu.enqueue_indirect_dma source(%dma_start3A_214 : memref<10000x32xf32, #tpu.memory_space<hbm>>) target(%dma_start3A_206 : memref<128x32xf32, #tpu.memory_space<vmem>>) offsets(%dma_start3A_207 : memref<128xi32, #tpu.memory_space<vmem>>) semaphore(%arg13 : memref<!tpu.dma_semaphore, #tpu.memory_space<semaphore_mem>>)
      } else {
      }
      %mul3A_168 = arith.constant 4 : i32
      %mul3A_169 = arith.muli %mul3A_168, %scan3A_83 : i32
      %add3A_170 = arith.constant 3 : i32
      %add3A_171 = arith.addi %mul3A_169, %add3A_170 : i32
      %mul3A_172 = arith.constant 128 : i32
      %mul3A_173 = arith.muli %add3A_171, %mul3A_172 : i32
      %dma_wait3A_174 = arith.constant 3 : i32
      %dma_wait3A_175 = arith.constant 0 : i32
      %dma_wait3A_176 = arith.constant 0 : i32
      %dma_wait3A_177 = tpu.memref_slice %arg8[%dma_wait3A_174, %dma_wait3A_175, %dma_wait3A_176] : memref<4x128x32xf32, #tpu.memory_space<vmem>> -> memref<1x128x32xf32, #tpu.memory_space<vmem>>
      %dma_wait3A_178 = tpu.memref_squeeze %dma_wait3A_177 : memref<1x128x32xf32, #tpu.memory_space<vmem>> -> memref<128x32xf32, #tpu.memory_space<vmem>>
      %dma_wait3A_179 = tpu.memref_slice %arg6[%mul3A_173] : memref<20000xi32, #tpu.memory_space<vmem>> -> memref<128xi32, #tpu.memory_space<vmem>>
      %dma_wait3A_180 = arith.constant 0 : i32
      %dma_wait3A_181 = arith.constant 0 : i32
      %dma_wait3A_182 = tpu.memref_slice %arg2[%arg0, %dma_wait3A_180, %dma_wait3A_181] : memref<2x10000x32xf32, #tpu.memory_space<hbm>> -> memref<1x10000x32xf32, #tpu.memory_space<hbm>>
      %dma_wait3A_183 = tpu.memref_squeeze %dma_wait3A_182 : memref<1x10000x32xf32, #tpu.memory_space<hbm>> -> memref<10000x32xf32, #tpu.memory_space<hbm>>
      %dma_wait3A_184 = arith.constant 0 : i32
      %dma_wait3A_185 = arith.constant 0 : i32
      %dma_wait3A_186 = tpu.memref_slice %dma_wait3A_183[%dma_wait3A_184, %dma_wait3A_185] : memref<10000x32xf32, #tpu.memory_space<hbm>> -> memref<10000x32xf32, #tpu.memory_space<hbm>>
      tpu.wait_indirect_dma semaphore(%arg14 : memref<!tpu.dma_semaphore, #tpu.memory_space<semaphore_mem>>) src(%dma_wait3A_186 : memref<10000x32xf32, #tpu.memory_space<hbm>>) dst(%dma_wait3A_178 : memref<128x32xf32, #tpu.memory_space<vmem>>)
      %mul3A_187 = arith.constant 128 : i32
      %mul3A_188 = arith.muli %add3A_171, %mul3A_187 : i32
      %run_scoped3A_189 = arith.constant 3 : i32
      "tpu.region"() ({
        %run_scoped3A_198 = tpu.sem_alloc : memref<!tpu.dma_semaphore, #tpu.memory_space<semaphore_mem>>
        %dma_start3A_199 = arith.constant 0 : i32
        %dma_start3A_200 = arith.constant 0 : i32
        %dma_start3A_201 = tpu.memref_slice %arg8[%run_scoped3A_189, %dma_start3A_199, %dma_start3A_200] : memref<4x128x32xf32, #tpu.memory_space<vmem>> -> memref<1x128x32xf32, #tpu.memory_space<vmem>>
        %dma_start3A_202 = tpu.memref_squeeze %dma_start3A_201 : memref<1x128x32xf32, #tpu.memory_space<vmem>> -> memref<128x32xf32, #tpu.memory_space<vmem>>
        %dma_start3A_203 = tpu.memref_slice %arg7[%mul3A_188] : memref<20000xi32, #tpu.memory_space<vmem>> -> memref<128xi32, #tpu.memory_space<vmem>>
        %dma_start3A_204 = arith.constant 0 : i32
        %dma_start3A_205 = arith.constant 0 : i32
        %dma_start3A_206 = tpu.memref_slice %arg10[%dma_start3A_204, %dma_start3A_205] : memref<10112x32xf32, #tpu.memory_space<vmem_shared>> -> memref<10112x32xf32, #tpu.memory_space<vmem_shared>>
        tpu.enqueue_indirect_dma source(%dma_start3A_202 : memref<128x32xf32, #tpu.memory_space<vmem>>) target(%dma_start3A_206 : memref<10112x32xf32, #tpu.memory_space<vmem_shared>>) offsets(%dma_start3A_203 : memref<128xi32, #tpu.memory_space<vmem>>) semaphore(%run_scoped3A_198 : memref<!tpu.dma_semaphore, #tpu.memory_space<semaphore_mem>>) {add = true}
        %dma_wait3A_207 = arith.constant 0 : i32
        %dma_wait3A_208 = arith.constant 0 : i32
        %dma_wait3A_209 = tpu.memref_slice %arg8[%run_scoped3A_189, %dma_wait3A_207, %dma_wait3A_208] : memref<4x128x32xf32, #tpu.memory_space<vmem>> -> memref<1x128x32xf32, #tpu.memory_space<vmem>>
        %dma_wait3A_210 = tpu.memref_squeeze %dma_wait3A_209 : memref<1x128x32xf32, #tpu.memory_space<vmem>> -> memref<128x32xf32, #tpu.memory_space<vmem>>
        %dma_wait3A_211 = tpu.memref_slice %arg7[%mul3A_188] : memref<20000xi32, #tpu.memory_space<vmem>> -> memref<128xi32, #tpu.memory_space<vmem>>
        %dma_wait3A_212 = arith.constant 0 : i32
        %dma_wait3A_213 = arith.constant 0 : i32
        %dma_wait3A_214 = tpu.memref_slice %arg10[%dma_wait3A_212, %dma_wait3A_213] : memref<10112x32xf32, #tpu.memory_space<vmem_shared>> -> memref<10112x32xf32, #tpu.memory_space<vmem_shared>>
        tpu.wait_indirect_dma semaphore(%run_scoped3A_198 : memref<!tpu.dma_semaphore, #tpu.memory_space<semaphore_mem>>) src(%dma_wait3A_210 : memref<128x32xf32, #tpu.memory_space<vmem>>) dst(%dma_wait3A_214 : memref<10112x32xf32, #tpu.memory_space<vmem_shared>>)
        tpu.yield
      }) : () -> ()
      %add3A_190 = arith.constant 4 : i32
      %add3A_191 = arith.addi %add3A_171, %add3A_190 : i32
      %lt3A_192 = arith.constant 156 : i32
      %lt3A_193 = arith.cmpi slt, %add3A_191, %lt3A_192 : i32
      %convert_element_type3A_194 = arith.extui %lt3A_193 : i1 to i32
      %cond3A_195 = arith.constant 0 : i32
      %cond3A_196 = arith.cmpi ne, %convert_element_type3A_194, %cond3A_195 : i32
      scf.if %cond3A_196 {
        %add3A_198 = arith.constant 4 : i32
        %add3A_199 = arith.addi %add3A_171, %add3A_198 : i32
        %mul3A_200 = arith.constant 128 : i32
        %mul3A_201 = arith.muli %add3A_199, %mul3A_200 : i32
        %dma_start3A_202 = arith.constant 3 : i32
        %dma_start3A_203 = arith.constant 0 : i32
        %dma_start3A_204 = arith.constant 0 : i32
        %dma_start3A_205 = tpu.memref_slice %arg8[%dma_start3A_202, %dma_start3A_203, %dma_start3A_204] : memref<4x128x32xf32, #tpu.memory_space<vmem>> -> memref<1x128x32xf32, #tpu.memory_space<vmem>>
        %dma_start3A_206 = tpu.memref_squeeze %dma_start3A_205 : memref<1x128x32xf32, #tpu.memory_space<vmem>> -> memref<128x32xf32, #tpu.memory_space<vmem>>
        %dma_start3A_207 = tpu.memref_slice %arg6[%mul3A_201] : memref<20000xi32, #tpu.memory_space<vmem>> -> memref<128xi32, #tpu.memory_space<vmem>>
        %dma_start3A_208 = arith.constant 0 : i32
        %dma_start3A_209 = arith.constant 0 : i32
        %dma_start3A_210 = tpu.memref_slice %arg2[%arg0, %dma_start3A_208, %dma_start3A_209] : memref<2x10000x32xf32, #tpu.memory_space<hbm>> -> memref<1x10000x32xf32, #tpu.memory_space<hbm>>
        %dma_start3A_211 = tpu.memref_squeeze %dma_start3A_210 : memref<1x10000x32xf32, #tpu.memory_space<hbm>> -> memref<10000x32xf32, #tpu.memory_space<hbm>>
        %dma_start3A_212 = arith.constant 0 : i32
        %dma_start3A_213 = arith.constant 0 : i32
        %dma_start3A_214 = tpu.memref_slice %dma_start3A_211[%dma_start3A_212, %dma_start3A_213] : memref<10000x32xf32, #tpu.memory_space<hbm>> -> memref<10000x32xf32, #tpu.memory_space<hbm>>
        tpu.enqueue_indirect_dma source(%dma_start3A_214 : memref<10000x32xf32, #tpu.memory_space<hbm>>) target(%dma_start3A_206 : memref<128x32xf32, #tpu.memory_space<vmem>>) offsets(%dma_start3A_207 : memref<128xi32, #tpu.memory_space<vmem>>) semaphore(%arg14 : memref<!tpu.dma_semaphore, #tpu.memory_space<semaphore_mem>>)
      } else {
      }
      %scan3A_197 = arith.constant 0 : i32
      scf.yield %scan3A_197 : i32
    }
    %scan3A_64 = arith.constant 39 : i32
    %dma_start3A_65 = arith.constant 19968 : i32
    %dma_start3A_66 = tpu.memref_slice %arg6[%dma_start3A_65] : memref<20000xi32, #tpu.memory_space<vmem>> -> memref<32xi32, #tpu.memory_space<vmem>>
    %dma_start3A_67 = arith.constant 0 : i32
    %dma_start3A_68 = arith.constant 0 : i32
    %dma_start3A_69 = tpu.memref_slice %arg2[%arg0, %dma_start3A_67, %dma_start3A_68] : memref<2x10000x32xf32, #tpu.memory_space<hbm>> -> memref<1x10000x32xf32, #tpu.memory_space<hbm>>
    %dma_start3A_70 = tpu.memref_squeeze %dma_start3A_69 : memref<1x10000x32xf32, #tpu.memory_space<hbm>> -> memref<10000x32xf32, #tpu.memory_space<hbm>>
    %dma_start3A_71 = arith.constant 0 : i32
    %dma_start3A_72 = arith.constant 0 : i32
    %dma_start3A_73 = tpu.memref_slice %dma_start3A_70[%dma_start3A_71, %dma_start3A_72] : memref<10000x32xf32, #tpu.memory_space<hbm>> -> memref<10000x32xf32, #tpu.memory_space<hbm>>
    tpu.enqueue_indirect_dma source(%dma_start3A_73 : memref<10000x32xf32, #tpu.memory_space<hbm>>) target(%arg9 : memref<32x32xf32, #tpu.memory_space<vmem>>) offsets(%dma_start3A_66 : memref<32xi32, #tpu.memory_space<vmem>>) semaphore(%arg11 : memref<!tpu.dma_semaphore, #tpu.memory_space<semaphore_mem>>)
    %dma_wait3A = arith.constant 19968 : i32
    %dma_wait3A_74 = tpu.memref_slice %arg6[%dma_wait3A] : memref<20000xi32, #tpu.memory_space<vmem>> -> memref<32xi32, #tpu.memory_space<vmem>>
    %dma_wait3A_75 = arith.constant 0 : i32
    %dma_wait3A_76 = arith.constant 0 : i32
    %dma_wait3A_77 = tpu.memref_slice %arg2[%arg0, %dma_wait3A_75, %dma_wait3A_76] : memref<2x10000x32xf32, #tpu.memory_space<hbm>> -> memref<1x10000x32xf32, #tpu.memory_space<hbm>>
    %dma_wait3A_78 = tpu.memref_squeeze %dma_wait3A_77 : memref<1x10000x32xf32, #tpu.memory_space<hbm>> -> memref<10000x32xf32, #tpu.memory_space<hbm>>
    %dma_wait3A_79 = arith.constant 0 : i32
    %dma_wait3A_80 = arith.constant 0 : i32
    %dma_wait3A_81 = tpu.memref_slice %dma_wait3A_78[%dma_wait3A_79, %dma_wait3A_80] : memref<10000x32xf32, #tpu.memory_space<hbm>> -> memref<10000x32xf32, #tpu.memory_space<hbm>>
    tpu.wait_indirect_dma semaphore(%arg11 : memref<!tpu.dma_semaphore, #tpu.memory_space<semaphore_mem>>) src(%dma_wait3A_81 : memref<10000x32xf32, #tpu.memory_space<hbm>>) dst(%arg9 : memref<32x32xf32, #tpu.memory_space<vmem>>)
    "tpu.region"() ({
      %run_scoped3A_83 = tpu.sem_alloc : memref<!tpu.dma_semaphore, #tpu.memory_space<semaphore_mem>>
      %dma_start3A_84 = arith.constant 19968 : i32
      %dma_start3A_85 = tpu.memref_slice %arg7[%dma_start3A_84] : memref<20000xi32, #tpu.memory_space<vmem>> -> memref<32xi32, #tpu.memory_space<vmem>>
      %dma_start3A_86 = arith.constant 0 : i32
      %dma_start3A_87 = arith.constant 0 : i32
      %dma_start3A_88 = tpu.memref_slice %arg10[%dma_start3A_86, %dma_start3A_87] : memref<10112x32xf32, #tpu.memory_space<vmem_shared>> -> memref<10112x32xf32, #tpu.memory_space<vmem_shared>>
      tpu.enqueue_indirect_dma source(%arg9 : memref<32x32xf32, #tpu.memory_space<vmem>>) target(%dma_start3A_88 : memref<10112x32xf32, #tpu.memory_space<vmem_shared>>) offsets(%dma_start3A_85 : memref<32xi32, #tpu.memory_space<vmem>>) semaphore(%run_scoped3A_83 : memref<!tpu.dma_semaphore, #tpu.memory_space<semaphore_mem>>) {add = true}
      %dma_wait3A_89 = arith.constant 19968 : i32
      %dma_wait3A_90 = tpu.memref_slice %arg7[%dma_wait3A_89] : memref<20000xi32, #tpu.memory_space<vmem>> -> memref<32xi32, #tpu.memory_space<vmem>>
      %dma_wait3A_91 = arith.constant 0 : i32
      %dma_wait3A_92 = arith.constant 0 : i32
      %dma_wait3A_93 = tpu.memref_slice %arg10[%dma_wait3A_91, %dma_wait3A_92] : memref<10112x32xf32, #tpu.memory_space<vmem_shared>> -> memref<10112x32xf32, #tpu.memory_space<vmem_shared>>
      tpu.wait_indirect_dma semaphore(%run_scoped3A_83 : memref<!tpu.dma_semaphore, #tpu.memory_space<semaphore_mem>>) src(%arg9 : memref<32x32xf32, #tpu.memory_space<vmem>>) dst(%dma_wait3A_93 : memref<10112x32xf32, #tpu.memory_space<vmem_shared>>)
      tpu.yield
    }) : () -> ()
    %barrier3A_82 = arith.constant 0 : index
    tpu.barrier barrier_id(%barrier3A_82)
    "tpu.region"() ({
      %run_scoped3A_83 = tpu.sem_alloc : memref<!tpu.dma_semaphore, #tpu.memory_space<semaphore_mem>>
      %dma_start3A_84 = arith.constant 0 : i32
      %dma_start3A_85 = tpu.memref_slice %arg5[%arg0, %mul3A_0, %dma_start3A_84] : memref<2x10112x32xf32, #tpu.memory_space<hbm>> -> memref<1x632x32xf32, #tpu.memory_space<hbm>>
      %dma_start3A_86 = tpu.memref_squeeze %dma_start3A_85 : memref<1x632x32xf32, #tpu.memory_space<hbm>> -> memref<632x32xf32, #tpu.memory_space<hbm>>
      %dma_start3A_87 = arith.constant 0 : i32
      %dma_start3A_88 = tpu.memref_slice %arg10[%mul3A_0, %dma_start3A_87] : memref<10112x32xf32, #tpu.memory_space<vmem_shared>> -> memref<632x32xf32, #tpu.memory_space<vmem_shared>>
      tpu.enqueue_dma source(%dma_start3A_88 : memref<632x32xf32, #tpu.memory_space<vmem_shared>>) target(%dma_start3A_86 : memref<632x32xf32, #tpu.memory_space<hbm>>) target_semaphore(%run_scoped3A_83 : memref<!tpu.dma_semaphore, #tpu.memory_space<semaphore_mem>>)
      %dma_wait3A_89 = arith.constant 0 : i32
      %dma_wait3A_90 = tpu.memref_slice %arg5[%arg0, %mul3A_0, %dma_wait3A_89] : memref<2x10112x32xf32, #tpu.memory_space<hbm>> -> memref<1x632x32xf32, #tpu.memory_space<hbm>>
      %dma_wait3A_91 = tpu.memref_squeeze %dma_wait3A_90 : memref<1x632x32xf32, #tpu.memory_space<hbm>> -> memref<632x32xf32, #tpu.memory_space<hbm>>
      %dma_wait3A_92 = arith.constant 0 : i32
      %dma_wait3A_93 = tpu.memref_slice %arg10[%mul3A_0, %dma_wait3A_92] : memref<10112x32xf32, #tpu.memory_space<vmem_shared>> -> memref<632x32xf32, #tpu.memory_space<vmem_shared>>
      tpu.wait_dma2 semaphore(%run_scoped3A_83 : memref<!tpu.dma_semaphore, #tpu.memory_space<semaphore_mem>>) src(%dma_wait3A_93 : memref<632x32xf32, #tpu.memory_space<vmem_shared>>) dst(%dma_wait3A_91 : memref<632x32xf32, #tpu.memory_space<hbm>>)
      tpu.yield
    }) : () -> ()
    return
  }
}

module attributes {stable_mosaic.version = 14 : i64} {
  func.func @_tc1_body(%arg0: i32, %arg1: memref<2x1000x64xf32, #tpu.memory_space<vmem>>, %arg2: memref<2x1000x8xf32, #tpu.memory_space<vmem>>, %arg3: memref<1000x128xf32, #tpu.memory_space<vmem>>, %arg4: memref<128x128xf32, #tpu.memory_space<vmem>>, %arg5: memref<1x128xf32, #tpu.memory_space<vmem>>, %arg6: memref<128x128xf32, #tpu.memory_space<vmem>>, %arg7: memref<128x64xf32, #tpu.memory_space<vmem>>, %arg8: memref<128x64xf32, #tpu.memory_space<vmem>>, %arg9: memref<2x1000x32xf32, #tpu.memory_space<vmem>>, %arg10: memref<1000x64xf32, #tpu.memory_space<vmem>>) attributes {dimension_semantics = [#tpu.dimension_semantics<arbitrary>], iteration_bounds = array<i64: 10>, scalar_prefetch = 0 : i64, scratch_operands = 0 : i64, tpu.core_type = #tpu.core_type<tc>, window_params = [{transform_indices = @transform_0, window_bounds = array<i64: 2, 1000, 64>}, {transform_indices = @transform_1, window_bounds = array<i64: 2, 1000, 8>}, {transform_indices = @transform_2, window_bounds = array<i64: 1000, 128>}, {pipeline_mode = #tpu.pipeline_mode<synchronous>, transform_indices = @transform_3, window_bounds = array<i64: 128, 128>}, {pipeline_mode = #tpu.pipeline_mode<synchronous>, transform_indices = @transform_4, window_bounds = array<i64: 1, 128>}, {pipeline_mode = #tpu.pipeline_mode<synchronous>, transform_indices = @transform_5, window_bounds = array<i64: 128, 128>}, {pipeline_mode = #tpu.pipeline_mode<synchronous>, transform_indices = @transform_6, window_bounds = array<i64: 128, 64>}, {pipeline_mode = #tpu.pipeline_mode<synchronous>, transform_indices = @transform_7, window_bounds = array<i64: 128, 64>}, {transform_indices = @transform_8, window_bounds = array<i64: 2, 1000, 32>}, {transform_indices = @transform_9, window_bounds = array<i64: 1000, 64>}]} {
    %get3A = arith.constant 0 : index
    %get3A_0 = arith.constant 0 : index
    %get3A_1 = arith.constant 0 : index
    %get3A_2 = vector.load %arg1[%get3A, %get3A_0, %get3A_1] : memref<2x1000x64xf32, #tpu.memory_space<vmem>>, vector<1x1000x64xf32>
    %get3A_3 = vector.shape_cast %get3A_2 : vector<1x1000x64xf32> to vector<1000x64xf32>
    %get3A_4 = arith.constant 1 : index
    %get3A_5 = arith.constant 0 : index
    %get3A_6 = arith.constant 0 : index
    %get3A_7 = vector.load %arg1[%get3A_4, %get3A_5, %get3A_6] : memref<2x1000x64xf32, #tpu.memory_space<vmem>>, vector<1x1000x64xf32>
    %get3A_8 = vector.shape_cast %get3A_7 : vector<1x1000x64xf32> to vector<1000x64xf32>
    %concatenate3A = tpu.concatenate %get3A_3, %get3A_8 in 1 : vector<1000x64xf32>, vector<1000x64xf32> -> vector<1000x128xf32>
    %get3A_9 = arith.constant 0 : index
    %get3A_10 = arith.constant 0 : index
    %get3A_11 = arith.constant 0 : index
    %get3A_12 = vector.load %arg2[%get3A_9, %get3A_10, %get3A_11] : memref<2x1000x8xf32, #tpu.memory_space<vmem>>, vector<1x1000x1xf32>
    %get3A_13 = vector.shape_cast %get3A_12 : vector<1x1000x1xf32> to vector<1000x1xf32>
    %get3A_14 = arith.constant 1 : index
    %get3A_15 = arith.constant 0 : index
    %get3A_16 = arith.constant 0 : index
    %get3A_17 = vector.load %arg2[%get3A_14, %get3A_15, %get3A_16] : memref<2x1000x8xf32, #tpu.memory_space<vmem>>, vector<1x1000x1xf32>
    %get3A_18 = vector.shape_cast %get3A_17 : vector<1x1000x1xf32> to vector<1000x1xf32>
    %add3A = arith.addf %get3A_13, %get3A_18 : vector<1000x1xf32>
    %max3A = arith.constant 1.000000e+00 : f32
    %max3A_19 = vector.broadcast %max3A : f32 to vector<1000x1xf32>
    %max3A_20 = arith.maximumf %add3A, %max3A_19 : vector<1000x1xf32>
    %div3A = arith.constant 1.000000e+00 : f32
    %div3A_21 = vector.broadcast %div3A : f32 to vector<1000x1xf32>
    %div3A_22 = arith.divf %div3A_21, %max3A_20 : vector<1000x1xf32>
    %mul3A = vector.broadcast %div3A_22 : vector<1000x1xf32> to vector<1000x128xf32>
    %mul3A_23 = arith.mulf %concatenate3A, %mul3A : vector<1000x128xf32>
    %get3A_24 = arith.constant 0 : index
    %get3A_25 = arith.constant 0 : index
    %get3A_26 = vector.load %arg4[%get3A_24, %get3A_25] : memref<128x128xf32, #tpu.memory_space<vmem>>, vector<128x128xf32>
    %dot_general3A = arith.constant dense<0.000000e+00> : vector<1000x128xf32>
    %dot_general3A_27 = tpu.matmul %mul3A_23, %get3A_26, %dot_general3A {dimension_numbers = #tpu.dot_dimension_numbers<[1], [0], [0], [1], [0, 0, 1, 1], [], []>, transpose_lhs_hint = false} : vector<1000x128xf32>, vector<128x128xf32>, vector<1000x128xf32> -> vector<1000x128xf32>
    %get3A_28 = arith.constant 0 : index
    %get3A_29 = arith.constant 0 : index
    %get3A_30 = vector.load %arg5[%get3A_28, %get3A_29] : memref<1x128xf32, #tpu.memory_space<vmem>>, vector<1x128xf32>
    %add3A_31 = vector.broadcast %get3A_30 : vector<1x128xf32> to vector<1000x128xf32>
    %add3A_32 = arith.addf %dot_general3A_27, %add3A_31 : vector<1000x128xf32>
    %get3A_33 = arith.constant 0 : index
    %get3A_34 = arith.constant 0 : index
    %get3A_35 = vector.load %arg3[%get3A_33, %get3A_34] : memref<1000x128xf32, #tpu.memory_space<vmem>>, vector<1000x128xf32>
    %get3A_36 = arith.constant 0 : index
    %get3A_37 = arith.constant 0 : index
    %get3A_38 = vector.load %arg6[%get3A_36, %get3A_37] : memref<128x128xf32, #tpu.memory_space<vmem>>, vector<128x128xf32>
    %dot_general3A_39 = arith.constant dense<0.000000e+00> : vector<1000x128xf32>
    %dot_general3A_40 = tpu.matmul %get3A_35, %get3A_38, %dot_general3A_39 {dimension_numbers = #tpu.dot_dimension_numbers<[1], [0], [0], [1], [0, 0, 1, 1], [], []>, transpose_lhs_hint = false} : vector<1000x128xf32>, vector<128x128xf32>, vector<1000x128xf32> -> vector<1000x128xf32>
    %add3A_41 = arith.addf %add3A_32, %dot_general3A_40 : vector<1000x128xf32>
    %max3A_42 = arith.constant 0.000000e+00 : f32
    %max3A_43 = vector.broadcast %max3A_42 : f32 to vector<1000x128xf32>
    %max3A_44 = arith.maximumf %add3A_41, %max3A_43 : vector<1000x128xf32>
    %get3A_45 = arith.constant 0 : index
    %get3A_46 = arith.constant 0 : index
    %get3A_47 = vector.load %arg7[%get3A_45, %get3A_46] : memref<128x64xf32, #tpu.memory_space<vmem>>, vector<128x32xf32>
    %dot_general3A_48 = arith.constant dense<0.000000e+00> : vector<1000x32xf32>
    %dot_general3A_49 = tpu.matmul %max3A_44, %get3A_47, %dot_general3A_48 {dimension_numbers = #tpu.dot_dimension_numbers<[1], [0], [0], [1], [0, 0, 1, 1], [], []>, transpose_lhs_hint = false} : vector<1000x128xf32>, vector<128x32xf32>, vector<1000x32xf32> -> vector<1000x32xf32>
    %swap3A = arith.constant 0 : index
    %swap3A_50 = arith.constant 0 : index
    %swap3A_51 = arith.constant 0 : index
    %swap3A_52 = vector.load %arg9[%swap3A, %swap3A_50, %swap3A_51] : memref<2x1000x32xf32, #tpu.memory_space<vmem>>, vector<1x1000x32xf32>
    %swap3A_53 = vector.shape_cast %swap3A_52 : vector<1x1000x32xf32> to vector<1000x32xf32>
    %swap3A_54 = vector.shape_cast %dot_general3A_49 : vector<1000x32xf32> to vector<1x1000x32xf32>
    tpu.vector_store %arg9[%swap3A, %swap3A_50, %swap3A_51], %swap3A_54 {strides = array<i32>} : memref<2x1000x32xf32, #tpu.memory_space<vmem>>, vector<1x1000x32xf32>,
    %get3A_55 = arith.constant 0 : index
    %get3A_56 = arith.constant 32 : index
    %get3A_57 = vector.load %arg7[%get3A_55, %get3A_56] : memref<128x64xf32, #tpu.memory_space<vmem>>, vector<128x32xf32>
    %dot_general3A_58 = arith.constant dense<0.000000e+00> : vector<1000x32xf32>
    %dot_general3A_59 = tpu.matmul %max3A_44, %get3A_57, %dot_general3A_58 {dimension_numbers = #tpu.dot_dimension_numbers<[1], [0], [0], [1], [0, 0, 1, 1], [], []>, transpose_lhs_hint = false} : vector<1000x128xf32>, vector<128x32xf32>, vector<1000x32xf32> -> vector<1000x32xf32>
    %swap3A_60 = arith.constant 1 : index
    %swap3A_61 = arith.constant 0 : index
    %swap3A_62 = arith.constant 0 : index
    %swap3A_63 = vector.load %arg9[%swap3A_60, %swap3A_61, %swap3A_62] : memref<2x1000x32xf32, #tpu.memory_space<vmem>>, vector<1x1000x32xf32>
    %swap3A_64 = vector.shape_cast %swap3A_63 : vector<1x1000x32xf32> to vector<1000x32xf32>
    %swap3A_65 = vector.shape_cast %dot_general3A_59 : vector<1000x32xf32> to vector<1x1000x32xf32>
    tpu.vector_store %arg9[%swap3A_60, %swap3A_61, %swap3A_62], %swap3A_65 {strides = array<i32>} : memref<2x1000x32xf32, #tpu.memory_space<vmem>>, vector<1x1000x32xf32>,
    %get3A_66 = arith.constant 0 : index
    %get3A_67 = arith.constant 0 : index
    %get3A_68 = vector.load %arg8[%get3A_66, %get3A_67] : memref<128x64xf32, #tpu.memory_space<vmem>>, vector<128x64xf32>
    %dot_general3A_69 = arith.constant dense<0.000000e+00> : vector<1000x64xf32>
    %dot_general3A_70 = tpu.matmul %max3A_44, %get3A_68, %dot_general3A_69 {dimension_numbers = #tpu.dot_dimension_numbers<[1], [0], [0], [1], [0, 0, 1, 1], [], []>, transpose_lhs_hint = false} : vector<1000x128xf32>, vector<128x64xf32>, vector<1000x64xf32> -> vector<1000x64xf32>
    %swap3A_71 = arith.constant 0 : index
    %swap3A_72 = arith.constant 0 : index
    %swap3A_73 = vector.load %arg10[%swap3A_71, %swap3A_72] : memref<1000x64xf32, #tpu.memory_space<vmem>>, vector<1000x64xf32>
    tpu.vector_store %arg10[%swap3A_71, %swap3A_72], %dot_general3A_70 {strides = array<i32>} : memref<1000x64xf32, #tpu.memory_space<vmem>>, vector<1000x64xf32>,
    return
  }
  func.func @transform_0(%arg0: i32) -> (i32, i32, i32) {
    %c0_i32 = arith.constant 0 : i32
    %c0_i32_0 = arith.constant 0 : i32
    %c0_i32_1 = arith.constant 0 : i32
    return %c0_i32, %arg0, %c0_i32_0 : i32, i32, i32
  }
  func.func @transform_1(%arg0: i32) -> (i32, i32, i32) {
    %c0_i32 = arith.constant 0 : i32
    %c0_i32_0 = arith.constant 0 : i32
    %c0_i32_1 = arith.constant 0 : i32
    return %c0_i32, %arg0, %c0_i32_0 : i32, i32, i32
  }
  func.func @transform_2(%arg0: i32) -> (i32, i32) {
    %c0_i32 = arith.constant 0 : i32
    %c0_i32_0 = arith.constant 0 : i32
    return %arg0, %c0_i32 : i32, i32
  }
  func.func @transform_3(%arg0: i32) -> (i32, i32) {
    %c0_i32 = arith.constant 0 : i32
    %c0_i32_0 = arith.constant 0 : i32
    %c0_i32_1 = arith.constant 0 : i32
    return %c0_i32, %c0_i32_0 : i32, i32
  }
  func.func @transform_4(%arg0: i32) -> (i32, i32) {
    %c0_i32 = arith.constant 0 : i32
    %c0_i32_0 = arith.constant 0 : i32
    %c0_i32_1 = arith.constant 0 : i32
    return %c0_i32, %c0_i32_0 : i32, i32
  }
  func.func @transform_5(%arg0: i32) -> (i32, i32) {
    %c0_i32 = arith.constant 0 : i32
    %c0_i32_0 = arith.constant 0 : i32
    %c0_i32_1 = arith.constant 0 : i32
    return %c0_i32, %c0_i32_0 : i32, i32
  }
  func.func @transform_6(%arg0: i32) -> (i32, i32) {
    %c0_i32 = arith.constant 0 : i32
    %c0_i32_0 = arith.constant 0 : i32
    %c0_i32_1 = arith.constant 0 : i32
    return %c0_i32, %c0_i32_0 : i32, i32
  }
  func.func @transform_7(%arg0: i32) -> (i32, i32) {
    %c0_i32 = arith.constant 0 : i32
    %c0_i32_0 = arith.constant 0 : i32
    %c0_i32_1 = arith.constant 0 : i32
    return %c0_i32, %c0_i32_0 : i32, i32
  }
  func.func @transform_8(%arg0: i32) -> (i32, i32, i32) {
    %c0_i32 = arith.constant 0 : i32
    %c0_i32_0 = arith.constant 0 : i32
    %c0_i32_1 = arith.constant 0 : i32
    return %c0_i32, %arg0, %c0_i32_0 : i32, i32, i32
  }
  func.func @transform_9(%arg0: i32) -> (i32, i32) {
    %c0_i32 = arith.constant 0 : i32
    %c0_i32_0 = arith.constant 0 : i32
    return %arg0, %c0_i32 : i32, i32
  }
}

module attributes {stable_mosaic.version = 14 : i64} {
  func.func @_tc2_body(%arg0: i32, %arg1: memref<2x1000x32xf32, #tpu.memory_space<vmem>>, %arg2: memref<2x1000x8xf32, #tpu.memory_space<vmem>>, %arg3: memref<1000x64xf32, #tpu.memory_space<vmem>>, %arg4: memref<1x64xf32, #tpu.memory_space<vmem>>, %arg5: memref<1000x64xf32, #tpu.memory_space<vmem>>) attributes {dimension_semantics = [#tpu.dimension_semantics<arbitrary>], iteration_bounds = array<i64: 10>, scalar_prefetch = 0 : i64, scratch_operands = 0 : i64, tpu.core_type = #tpu.core_type<tc>, window_params = [{transform_indices = @transform_0, window_bounds = array<i64: 2, 1000, 32>}, {transform_indices = @transform_1, window_bounds = array<i64: 2, 1000, 8>}, {transform_indices = @transform_2, window_bounds = array<i64: 1000, 64>}, {pipeline_mode = #tpu.pipeline_mode<synchronous>, transform_indices = @transform_3, window_bounds = array<i64: 1, 64>}, {transform_indices = @transform_4, window_bounds = array<i64: 1000, 64>}]} {
    %get3A = arith.constant 0 : index
    %get3A_0 = arith.constant 0 : index
    %get3A_1 = arith.constant 0 : index
    %get3A_2 = vector.load %arg1[%get3A, %get3A_0, %get3A_1] : memref<2x1000x32xf32, #tpu.memory_space<vmem>>, vector<1x1000x32xf32>
    %get3A_3 = vector.shape_cast %get3A_2 : vector<1x1000x32xf32> to vector<1000x32xf32>
    %get3A_4 = arith.constant 1 : index
    %get3A_5 = arith.constant 0 : index
    %get3A_6 = arith.constant 0 : index
    %get3A_7 = vector.load %arg1[%get3A_4, %get3A_5, %get3A_6] : memref<2x1000x32xf32, #tpu.memory_space<vmem>>, vector<1x1000x32xf32>
    %get3A_8 = vector.shape_cast %get3A_7 : vector<1x1000x32xf32> to vector<1000x32xf32>
    %concatenate3A = tpu.concatenate %get3A_3, %get3A_8 in 1 : vector<1000x32xf32>, vector<1000x32xf32> -> vector<1000x64xf32>
    %get3A_9 = arith.constant 0 : index
    %get3A_10 = arith.constant 0 : index
    %get3A_11 = arith.constant 0 : index
    %get3A_12 = vector.load %arg2[%get3A_9, %get3A_10, %get3A_11] : memref<2x1000x8xf32, #tpu.memory_space<vmem>>, vector<1x1000x1xf32>
    %get3A_13 = vector.shape_cast %get3A_12 : vector<1x1000x1xf32> to vector<1000x1xf32>
    %get3A_14 = arith.constant 1 : index
    %get3A_15 = arith.constant 0 : index
    %get3A_16 = arith.constant 0 : index
    %get3A_17 = vector.load %arg2[%get3A_14, %get3A_15, %get3A_16] : memref<2x1000x8xf32, #tpu.memory_space<vmem>>, vector<1x1000x1xf32>
    %get3A_18 = vector.shape_cast %get3A_17 : vector<1x1000x1xf32> to vector<1000x1xf32>
    %add3A = arith.addf %get3A_13, %get3A_18 : vector<1000x1xf32>
    %max3A = arith.constant 1.000000e+00 : f32
    %max3A_19 = vector.broadcast %max3A : f32 to vector<1000x1xf32>
    %max3A_20 = arith.maximumf %add3A, %max3A_19 : vector<1000x1xf32>
    %div3A = arith.constant 1.000000e+00 : f32
    %div3A_21 = vector.broadcast %div3A : f32 to vector<1000x1xf32>
    %div3A_22 = arith.divf %div3A_21, %max3A_20 : vector<1000x1xf32>
    %mul3A = vector.broadcast %div3A_22 : vector<1000x1xf32> to vector<1000x64xf32>
    %mul3A_23 = arith.mulf %concatenate3A, %mul3A : vector<1000x64xf32>
    %get3A_24 = arith.constant 0 : index
    %get3A_25 = arith.constant 0 : index
    %get3A_26 = vector.load %arg4[%get3A_24, %get3A_25] : memref<1x64xf32, #tpu.memory_space<vmem>>, vector<1x64xf32>
    %add3A_27 = vector.broadcast %get3A_26 : vector<1x64xf32> to vector<1000x64xf32>
    %add3A_28 = arith.addf %mul3A_23, %add3A_27 : vector<1000x64xf32>
    %get3A_29 = arith.constant 0 : index
    %get3A_30 = arith.constant 0 : index
    %get3A_31 = vector.load %arg3[%get3A_29, %get3A_30] : memref<1000x64xf32, #tpu.memory_space<vmem>>, vector<1000x64xf32>
    %add3A_32 = arith.addf %add3A_28, %get3A_31 : vector<1000x64xf32>
    %swap3A = arith.constant 0 : index
    %swap3A_33 = arith.constant 0 : index
    %swap3A_34 = vector.load %arg5[%swap3A, %swap3A_33] : memref<1000x64xf32, #tpu.memory_space<vmem>>, vector<1000x64xf32>
    tpu.vector_store %arg5[%swap3A, %swap3A_33], %add3A_32 {strides = array<i32>} : memref<1000x64xf32, #tpu.memory_space<vmem>>, vector<1000x64xf32>,
    return
  }
  func.func @transform_0(%arg0: i32) -> (i32, i32, i32) {
    %c0_i32 = arith.constant 0 : i32
    %c0_i32_0 = arith.constant 0 : i32
    %c0_i32_1 = arith.constant 0 : i32
    return %c0_i32, %arg0, %c0_i32_0 : i32, i32, i32
  }
  func.func @transform_1(%arg0: i32) -> (i32, i32, i32) {
    %c0_i32 = arith.constant 0 : i32
    %c0_i32_0 = arith.constant 0 : i32
    %c0_i32_1 = arith.constant 0 : i32
    return %c0_i32, %arg0, %c0_i32_0 : i32, i32, i32
  }
  func.func @transform_2(%arg0: i32) -> (i32, i32) {
    %c0_i32 = arith.constant 0 : i32
    %c0_i32_0 = arith.constant 0 : i32
    return %arg0, %c0_i32 : i32, i32
  }
  func.func @transform_3(%arg0: i32) -> (i32, i32) {
    %c0_i32 = arith.constant 0 : i32
    %c0_i32_0 = arith.constant 0 : i32
    %c0_i32_1 = arith.constant 0 : i32
    return %c0_i32, %c0_i32_0 : i32, i32
  }
  func.func @transform_4(%arg0: i32) -> (i32, i32) {
    %c0_i32 = arith.constant 0 : i32
    %c0_i32_0 = arith.constant 0 : i32
    return %arg0, %c0_i32 : i32, i32
  }
}

</mosaic_0001>

<sc_bundles>
// kernel: kernel.6.cloned.1.call-start
scs
__scs_entry_jumppad:
0x0: {  	(pc) =	sbr.rel $0x88, $3  }
0x1: {  	(tag) =	ssettag $0x0;
	lr =	simm.s32 $0x1  }
0x2: {  	[smem:$0x3F99] =	sst lr;
	_ =	strace $0xD0000000  }
0x3: {  	_ = 	snop  }
0x4: {  	_ = 	snop  }
0x5: {  	_ = 	snop  }
0x6: {  	_ = 	snop  }
0x7: {  	_ = 	snop  }
__scs_overlays_trampoline_lowered:
0x8: {  	[smem:$0x3FA8] =	sst s0  }
0x9: {  	[smem:$0x3FA9] =	sst s1  }
0xa: {  	[smem:$0x3FAA] =	sst s2  }
0xb: {  	[smem:$0x3FAB] =	sst s3  }
0xc: {  	[smem:$0x3FAC] =	sst s4  }
0xd: {  	[smem:$0x3FAD] =	sst s5  }
0xe: {  	[smem:$0x3FAE] =	sst s6  }
0xf: {  	[smem:$0x3FAF] =	sst s7  }
0x10: {  	[smem:$0x3FB0] =	sst s8  }
0x11: {  	[smem:$0x3FB1] =	sst s9;
	s0 =	simm.s32 @!p0 $0x0  }
0x12: {  	s1 =	sld [smem:$0x3F97];
	s0 =	simm.s32 @p0 $0x1  }
0x13: {  	[smem:$0x3FB2] =	sst s0;
	s0 =	simm.s32 @!p1 $0x0  }
0x14: {  	s2 =	sld [smem:$0x3F96];
	s0 =	simm.s32 @p1 $0x1  }
0x15: {  	[smem:$0x3FB3] =	sst s0;
	s0 =	simm.s32 @!p2 $0x0  }
0x16: {  	s3 =	sld [smem:$0x3FDB];
	s0 =	simm.s32 @p2 $0x1  }
0x17: {  	s4 =	simm.s32 $0x1BF5;
	[smem:$0x3FB5] =	sst s0  }
0x18: {  	s0 =	sld [smem:$0x3F98];
	_ =	swait.ge [sflag:s4], $0x0  }
0x19: {  	s7 =	sld [smem:$0x3F99]  }
0x1a: {  	s8 =	sadd.s32 $0xFFFFE003, lr  }
0x1b: {  	s9 =	sadd.s32 $0xFFFFFEF7, lr;
	s5 =	simm.s32 $0xFFFFFFFF;
	p2 =	slt.u32 s8, $0xFFFFF086  }
0x1c: {  	p1 =	slt.u32 s9, $0xF7A;
	s5 =	simm.s32 @!p2 $0x0  }
0x1d: {  	s5 =	simm.s32 @p1 $0x1;
	p0 =	seq.s32 s7, s2  }
0x1e: {  	s7 =	smul.u32 @!p0 $0xF7A, s2;
	p2 =	seq.s32 @!p0 s5, $0x0  }
0x1f: {  	s9 =	smul.u32 $0xF7A, s1;
	s8 =	simm.s32 @!p0 $0x1BF5;
	p2 =	por !p2, p0  }
0x20: {  	[sflag:s8] =	ssyncset.s32 @!p0 $0xFFFFF086;
	s6 =	sadd.s32 @!p0 s3, s7;
	s7 =	simm.s32 @!p0 $0x108  }
0x21: {  	s3 =	sadd.s32 s3, s9;
	s6 =	sadd.s32 @!p0 $0x88, s6;
	s7 =	simm.s32 @p2 $0x1082  }
0x22: {  	[simem:s7], [sflag:s8] =	dma.local @!p0 [hbm:s6], $0xF7A  }
0x23: {  	s9 =	sor.u32 $0xD0000000, s2;
	s6 =	simm.s32 $0x108;
	_ =	swait.ge @!p0 [sflag:s8], $0x0  }
0x24: {  	s3 =	sadd.s32 $0x88, s3;
	s6 =	simm.s32 @!p1 $0x1082;
	[sflag:s4] =	ssyncset.s32 $0xFFFFF086  }
0x25: {  	[simem:s6], [sflag:s4] =	dma.local [hbm:s3], $0xF7A  }
0x26: {  	[smem:$0x3F99] =	sst s1;
	(tag) =	ssettag s2;
	_ =	strace s9  }
0x27: {  	s1 =	sld [smem:$0x3FA9]  }
0x28: {  	s2 =	sld [smem:$0x3FAA]  }
0x29: {  	s4 =	sld [smem:$0x3FAC]  }
0x2a: {  	p0 =	seq.s32 s5, $0x0;
	s5 =	sld [smem:$0x3FAD]  }
0x2b: {  	s6 =	sld [smem:$0x3FAE]  }
0x2c: {  	s7 =	sld [smem:$0x3FAF]  }
0x2d: {  	s3 =	simm.s32 $0x108;
	s8 =	sld [smem:$0x3FB0]  }
0x2e: {  	s3 =	simm.s32 @!p0 $0x1082;
	s9 =	sld [smem:$0x3FB1]  }
0x2f: {  	lr =	sadd.s32 s0, s3;
	s0 =	sld [smem:$0x3FA8]  }
0x30: {  	s3 =	sld [smem:$0x3FAB]  }
0x31: {  	[smem:$0x3FB4] =	sst s10  }
0x32: {  	s10 =	sld [smem:$0x3FB2];
	_ =	sdelay $0x3  }
0x33: {  	p0 =	seq.s32 s10, $0x1;
	s10 =	sld [smem:$0x3FB4];
	_ =	sdelay $0x3  }
0x34: {  	[smem:$0x3FB4] =	sst s10  }
0x35: {  	s10 =	sld [smem:$0x3FB3];
	_ =	sdelay $0x3  }
0x36: {  	p1 =	seq.s32 s10, $0x1;
	s10 =	sld [smem:$0x3FB4];
	_ =	sdelay $0x3  }
0x37: {  	[smem:$0x3FB4] =	sst s10  }
0x38: {  	s10 =	sld [smem:$0x3FB5]  }
0x39: {  	_ = 	snop;
	(pc) =	sbr.ind lr, $3  }
0x3a: {  	_ = 	snop  }
0x3b: {  	_ = 	snop  }
0x3c: {  	p2 =	seq.s32 s10, $0x1;
	s10 =	sld [smem:$0x3FB4]  }
0x3d: {  	_ =	shalt  }
0x3e: {  	_ =	shalt  }
0x3f: {  	_ =	shalt  }
0x40: {  	_ =	shalt  }
0x41: {  	_ =	shalt  }
0x42: {  	_ =	shalt  }
0x43: {  	_ =	shalt  }
0x44: {  	_ =	shalt  }
0x45: {  	_ =	shalt  }
0x46: {  	_ =	shalt  }
0x47: {  	_ =	shalt  }
0x48: {  	_ =	shalt  }
0x49: {  	_ =	shalt  }
0x4a: {  	_ =	shalt  }
0x4b: {  	_ =	shalt  }
0x4c: {  	_ =	shalt  }
0x4d: {  	_ =	shalt  }
0x4e: {  	_ =	shalt  }
0x4f: {  	_ =	shalt  }
0x50: {  	_ =	shalt  }
0x51: {  	_ =	shalt  }
0x52: {  	_ =	shalt  }
0x53: {  	_ =	shalt  }
0x54: {  	_ =	shalt  }
0x55: {  	_ =	shalt  }
0x56: {  	_ =	shalt  }
0x57: {  	_ =	shalt  }
0x58: {  	_ =	shalt  }
0x59: {  	_ =	shalt  }
0x5a: {  	_ =	shalt  }
0x5b: {  	_ =	shalt  }
0x5c: {  	_ =	shalt  }
0x5d: {  	_ =	shalt  }
0x5e: {  	_ =	shalt  }
0x5f: {  	_ =	shalt  }
0x60: {  	_ =	shalt  }
0x61: {  	_ =	shalt  }
0x62: {  	_ =	shalt  }
0x63: {  	_ =	shalt  }
0x64: {  	_ =	shalt  }
0x65: {  	_ =	shalt  }
0x66: {  	_ =	shalt  }
0x67: {  	_ =	shalt  }
0x68: {  	_ =	shalt  }
0x69: {  	_ =	shalt  }
0x6a: {  	_ =	shalt  }
0x6b: {  	_ =	shalt  }
0x6c: {  	_ =	shalt  }
0x6d: {  	_ =	shalt  }
0x6e: {  	_ =	shalt  }
0x6f: {  	_ =	shalt  }
0x70: {  	_ =	shalt  }
0x71: {  	_ =	shalt  }
0x72: {  	_ =	shalt  }
0x73: {  	_ =	shalt  }
0x74: {  	_ =	shalt  }
0x75: {  	_ =	shalt  }
0x76: {  	_ =	shalt  }
0x77: {  	_ =	shalt  }
0x78: {  	_ =	shalt  }
0x79: {  	_ =	shalt  }
0x7a: {  	_ =	shalt  }
0x7b: {  	_ =	shalt  }
0x7c: {  	_ =	shalt  }
0x7d: {  	_ =	shalt  }
0x7e: {  	_ =	shalt  }
0x7f: {  	_ =	shalt  }
0x80: {  	_ =	shalt  }
0x81: {  	_ =	shalt  }
0x82: {  	_ =	shalt  }
0x83: {  	_ =	shalt  }
0x84: {  	_ =	shalt  }
0x85: {  	_ =	shalt  }
0x86: {  	_ =	shalt  }
0x87: {  	_ =	shalt  }
.Lfunc_end0:
.L_simem_size_0:
called_computation_lowered:
.L_overlay_start_0:
0x88: {  	s2 =	sld [smem:$0x3FD9]  }
0x89: {  	s3 =	sld [smem:$0x3FFE];
	_ =	sdelay $0x1  }
0x8a: {  	s1 =	srdreg.scid  }
0x8b: {  	s0 =	sand.u32 $0x1, s1  }
0x8c: {  	s17 =	sshll.u32 s0, $0xA;
	s2 =	sadd.s32 s3, s2  }
0x8d: {  	s2 =	sadd.s32 s2, s17  }
0x8e: {  	[smem:$0x3FC0] =	sst s2  }
0x8f: {  	_ = 	snop  }
0x90: {  	s2 =	sld [smem:$0x3FD0];
	(tm) =	ssettm $0x1  }
0x91: {  	s18 =	sld [smem:$0x3FFB];
	_ =	sdelay $0x3  }
0x92: {  	_ =	strace s18  }
0x93: {  	s3 =	sld [smem:$0x3FFC];
	_ =	sdelay $0x3  }
0x94: {  	_ =	strace s3  }
0x95: {  	s3 =	sld [smem:$0x3FFD];
	_ =	sdelay $0x3  }
0x96: {  	_ =	strace s3  }
0x97: {  	_ =	strace $0x8FFFFFFF  }
0x98: {  	s19 =	sld [smem:$0x3FDB];
	_ =	sdelay $0x1  }
0x99: {  	s4 =	simm.s32 $_scs_section_size  }
0x9a: {  	s5 =	simm.s32 $_size__tile_overlayer_lowered;
	s6 =	simm.s32 $_tile_overlayer_lowered  }
0x9b: {  	s22 =	simm.s32 $0x1BFF;
	s21 =	sshll.u32 s6, $0x1;
	s3 =	sadd.s32 s4, s19  }
0x9c: {  	s7 =	simm.s32 $0x0;
	s20 =	sshll.u32 s5, $0x1;
	s5 =	sadd.s32 s21, s3  }
0x9d: {  	[timem:s7], [sflag:s22] =	dma.local [hbm:s5], s20  }
0x9e: {  	_ =	swait.ge [sflag:s22], s20  }
0x9f: {  	s4 =	ssub.s32 $0x0, s20;
	[sflag:s22] =	ssyncset.done $0x0  }
0xa0: {  	[sflag:s22] =	ssyncadd.s32 s4;
	_ =	sdelay $0x1  }
0xa1: {  	s23 =	simm.s32 $0x1B8B  }
0xa2: {  	_ =	swait.ge [sflag:s23], $0x1  }
0xa3: {  	[sflag:s23] =	ssyncset.done $0x0  }
0xa4: {  	s25 =	simm.s32 $0x1B8E;
	s24 =	sld [smem:$0x3FFE];
	[sflag:s23] =	ssyncadd.s32 $0xFFFFFFFF  }
0xa5: {  	s26 =	simm.s32 $execute0_lowered;
	[smem:$0x3FD2] =	sst s25  }
0xa6: {  	s5 =	sshll.u32 s26, $0x1;
	_ =	strace $0x80000046;
	[dreg:$0x1] =	wrdreg $0xFFFFFFFF  }
0xa7: {  	s28 =	simm.s32 $_size_execute0_lowered;
	s3 =	sadd.s32 s3, s5;
	[dreg:$0x0] =	wrdreg $0x0  }
0xa8: {  	s5 =	sshll.u32 s28, $0x1;
	[dreg:$0x2] =	wrdreg s3  }
0xa9: {  	[dreg:$0x3] =	wrdreg s5  }
0xaa: {  	[dreg:$0x4] =	wrdreg $0xC0  }
0xab: {  	_ =	task [dreg:s7], $0x5FFFF  }
0xac: {  	[dreg:$0x1] =	wrdreg $0xFFFFFFFF  }
0xad: {  	[dreg:$0x0] =	wrdreg $0x60  }
0xae: {  	[dreg:$0x2] =	wrdreg s24  }
0xaf: {  	[dreg:$0x3] =	wrdreg s2  }
0xb0: {  	[dreg:$0x4] =	wrdreg $0x128400  }
0xb1: {  	[dreg:$0x5] =	wrdreg $0x1C6400  }
0xb2: {  	[dreg:$0x6] =	wrdreg $0x9  }
0xb3: {  	_ =	task.clear_ibuf [dreg:s7], $0x7FFFF;
	_ =	strace $0x90000046  }
0xb4: {  	s29 =	simm.s32 $0x9;
	_ =	strace $0x80000048  }
0xb5: {  	_ =	swait.ge [sflag:s29], $0x1  }
0xb6: {  	[sflag:s29] =	ssyncadd.s32 $0xFFFFFFFF  }
0xb7: {  	_ =	strace $0x90000048  }
0xb8: {  	_ =	sfence  }
0xb9: {  	s30 =	sld [smem:$0x0];
	_ =	sdelay $0x2  }
0xba: {  	s31 =	sshll.u32 s1, $0xD;
	s1 =	sshrl.u32 s1, $0x2  }
0xbb: {  	s3 =	sand.u32 $0x4000, s31;
	s1 =	sadd.s32 s1, s30  }
0xbc: {  	s0 =	sor.u32 s3, s0;
	s1 =	sshll.u32 s1, $0x11  }
0xbd: {  	s0 =	sor.u32 s1, s0  }
0xbe: {  	s0 =	sadd.s32 $0x8F2B, s0  }
0xbf: {  	[sflag:s0] =	ssyncadd.remote.s32 $0x1  }
0xc0: {  	_ =	sfence.sel $0xFFFF  }
0xc1: {  	[dreg:$0x0] =	wrdreg $0xFFFFFFFF;
	(pc) =	sbr.abs _section_cstart, $3  }
0xc2: {  	[dreg:$0x1] =	wrdreg $0xFFFFFFFF  }
0xc3: {  	_ =	task.clear_ibuf [dreg:s7], $0x2FFFF;
	_ =	strace $0x9FFFFFFF  }
0xc4: {  	(tm) =	ssettm $0x7FFFFFFF  }
0xc5: {  	_ =	shalt  }
tec
execute0_lowered:
.L_overlay_start_1:
0x0: {  	(tag) =	ssettag $0x1  }
0x1: {  	s0 =	rddreg [dreg:$0x0]  }
0x2: {  	s1 =	rddreg [dreg:$0x1];
	s3 =	srdreg.scid  }
0x3: {  	s2 =	rddreg [dreg:$0x2];
	s16 =	stileid.u32  }
0x4: {  	s4 =	simm.s32 $0x0;
	s28 =	simm.s32 $0x1;
	s7 =	smul.u32 $0x4E20, s16  }
0x5: {  	s29 =	simm.s32 $0x2;
	s30 =	simm.s32 $0x3;
	s8 =	smul.u32 $0x13C0, s16  }
0x6: {  	s5 =	sand.u32 $0x1, s3;
	s3 =	rddreg [dreg:$0x3];
	s9 =	smul.u32 $0x9E00, s16  }
0x7: {  	s31 =	simm.s32 $0x4;
	[smem:$0x7FF] =	sst s4;
	s6 =	smul.u32 $0x13880, s5  }
0x8: {  	s26 =	sadd.s32 $0x3FC00, s0;
	s20 =	sshll.u32 s16, $0x6;
	s10 =	smul.u32 $0x9E000, s5  }
0x9: {  	s16 =	simm.s32 $0x5;
	_ =	strace $0x80000047;
	s12 =	smul.u32 $0x13C00, s5  }
0xa: {  	[dreg:$0x5] =	wrdreg s26;
	s17 =	ssub.s32 $0x2, s5;
	p0 =	seq.s32 s5, $0x0  }
0xb: {  	s7 =	sshrl.u32 s7, $0x3;
	s11 =	sshrl.u32 s8, $0x3;
	s18 =	sshrl.u32 s17, $0x1  }
0xc: {  	s19 =	sshrl.u32 s9, $0x3;
	s21 =	sadd.s32 s9, s2;
	s22 =	sadd.s32 s8, s3  }
0xd: {  	s6 =	sadd.s32 s6, s0;
	s13 =	sadd.s32 s7, s0;
	s11 =	sadd.s32 s11, s0  }
0xe: {  	s14 =	sadd.s32 s9, s10;
	s15 =	sadd.s32 s8, s12;
	s1 =	sadd.s32 s1, s19  }
0xf: {  	s7 =	sshrl.u32 s14, $0x3;
	s10 =	sshrl.u32 s15, $0x3;
	s15 =	ssub.s32 s17, s18  }
0x10: {  	[dreg:$0x6] =	wrdreg s1;
	s23 =	sadd.s32 $0x3D400, s11;
	s24 =	sadd.s32 $0x29A00, s13  }
0x11: {  	s25 =	sadd.s32 $0x33640, s13;
	s11 =	sadd.s32 $0x2800, s6;
	s17 =	sshrl.u32 s22, $0x3  }
0x12: {  	s22 =	simm.s32 $0xBC40;
	s1 =	simm.s32 $0x20;
	s18 =	simm.s32 $0x11C40  }
0x13: {  	s14 =	sadd.s32 s7, s0;
	s0 =	sadd.s32 s10, s0;
	[dreg:$0x7] =	wrdreg s23  }
.Ltmp0:
0x14: {  	s7 =	sor.u32 $0x1C05, s20;
	[dreg:$0x8] =	wrdreg s24;
	(pc) =	sbr.rel .LBB2_1-.Ltmp0, $4  }
0x15: {  	[dreg:$0x9] =	wrdreg s25;
	s20 =	simm.s32 $0x80;
	s24 =	simm.s32 $0xDC40  }
0x16: {  	s23 =	simm.s32 $0x0;
	s26 =	sadd.s32 $0x44E00, s14;
	s0 =	sadd.s32 $0x3FE00, s0  }
0x17: {  	s14 =	smax.u32 s15, $0x1;
	s15 =	sshrl.u32 s21, $0x3;
	[dreg:$0xa] =	wrdreg s26  }
0x18: {  	s21 =	simm.s32 $0x9C40;
	[dreg:$0xb] =	wrdreg s0;
	s26 =	simm.s32 $0xFC40  }
.LBB2_4:
0x19: {  	s0 =	simm.s32 $0x4E00  }
0x1a: {  	[tilespmem:s18], [sflag:$0x1] =	stream.indirect.gather [hbm4b:s11+s1], $0x40, s0, s1, $0xb8;
	[tilespmem:$0x1DA00] =	vst v63  }
0x1b: {  	_ =	swait.ge [sflag:s28], $0x800  }
0x1c: {  	[sflag:s28] =	ssyncset.done $0x0  }
0x1d: {  	s13 =	simm.s32 $0x9C20;
	[sflag:s28] =	ssyncadd.s32 $0xFFFFF800  }
0x1e: {  	[spmem:s2] =	stream.indirect.scatter.add.f32 [tilespmem:s18], [sflag:$0x5], $0x40, s13, s1, $0xb8;
	[tilespmem:$0x1DA00] =	vst v63  }
0x1f: {  	_ =	swait.ge [sflag:s16], $0x800  }
0x20: {  	s5 =	simm.s32 @!p0 $0x9C20;
	[sflag:s16] =	ssyncset.done $0x0  }
0x21: {  	s6 =	simm.s32 @!p0 $0x12440;
	s0 =	simm.s32 @!p0 $0x20;
	[sflag:s16] =	ssyncadd.s32 $0xFFFFF800  }
0x22: {  	[spmem:s3] =	stream.indirect.scatter.add.f32 @!p0 [tilespmem:s6], [sflag:$0x5], $0x8, s5, s0, $0xb8;
	[tilespmem:$0x1DA00] =	vst v63  }
0x23: {  	s0 =	simm.s32 @!p0 $0x5  }
0x24: {  	_ =	swait.ge @!p0 [sflag:s0], $0x100  }
0x25: {  	[sflag:s0] =	ssyncset.done @!p0 $0x0  }
0x26: {  	[sflag:s0] =	ssyncadd.s32 @!p0 $0xFFFFFF00  }
0x27: {  	[bflag:$0x0] =	sbarrier.arrive $0xFFFF  }
0x28: {  	s19 =	rddreg [dreg:$0xa]  }
0x29: {  	[hbm:s19], [sflag:s7] =	dma.local [spmem:s15], $0x13C0  }
0x2a: {  	s23 =	sadd.s32 $0x1, s23;
	_ =	swait.ge [sflag:s16], $0x13C0  }
0x2b: {  	p1 =	sne.s32 s23, s14;
	[sflag:s16] =	ssyncset.done $0x0  }
.Ltmp1:
0x2c: {  	s25 =	rddreg [dreg:$0xb];
	[sflag:s16] =	ssyncadd.s32 $0xFFFFEC40;
	(pc) =	sbr.rel @!p1 .LBB2_5-.Ltmp1, $4  }
0x2d: {  	[hbm:s25], [sflag:s7] =	dma.local [spmem:s17], $0x278  }
0x2e: {  	_ =	swait.ge [sflag:s16], $0x278  }
0x2f: {  	[sflag:s16] =	ssyncset.done $0x0  }
0x30: {  	[sflag:s16] =	ssyncadd.s32 $0xFFFFFD88  }
.LBB2_1:
0x31: {  	s0 =	rddreg [dreg:$0x6]  }
0x32: {  	[spmem:s15], [sflag:s7] =	dma.local [hbm:s0], $0x13C0  }
0x33: {  	_ =	swait.ge [sflag:s16], $0x13C0  }
0x34: {  	[sflag:s16] =	ssyncset.done $0x0  }
0x35: {  	s8 =	rddreg [dreg:$0x7];
	[sflag:s16] =	ssyncadd.s32 $0xFFFFEC40  }
0x36: {  	[spmem:s17], [sflag:s7] =	dma.local [hbm:s8], $0x278  }
0x37: {  	_ =	swait.ge [sflag:s16], $0x278  }
0x38: {  	[sflag:s16] =	ssyncset.done $0x0  }
0x39: {  	s5 =	simm.s32 $0x12440;
	s9 =	rddreg [dreg:$0x5];
	[sflag:s16] =	ssyncadd.s32 $0xFFFFFD88  }
0x3a: {  	[tilespmem:s5], [sflag:$0x5] =	stream.linear.gather [hbm4b:s9+s4], $0x400, $0x38;
	[tilespmem:$0x1DA00] =	vst v63  }
0x3b: {  	_ =	swait.ge [sflag:s16], $0x400  }
0x3c: {  	[sflag:s16] =	ssyncset.done $0x0  }
0x3d: {  	s10 =	rddreg [dreg:$0x8];
	[sflag:s16] =	ssyncadd.s32 $0xFFFFFC00  }
0x3e: {  	[tilespmem:s4], [sflag:$0x5] =	stream.linear.gather [hbm4b:s10+s4], $0x4E20, $0x38;
	[tilespmem:$0x1DA00] =	vst v63  }
0x3f: {  	_ =	swait.ge [sflag:s16], $0x4E20  }
0x40: {  	[sflag:s16] =	ssyncset.done $0x0  }
0x41: {  	s13 =	simm.s32 $0x4E20;
	s12 =	rddreg [dreg:$0x9];
	[sflag:s16] =	ssyncadd.s32 $0xFFFFB1E0  }
0x42: {  	[tilespmem:s13], [sflag:$0x5] =	stream.linear.gather [hbm4b:s12+s4], $0x4E20, $0x38;
	[tilespmem:$0x1DA00] =	vst v63  }
0x43: {  	_ =	swait.ge [sflag:s16], $0x4E20  }
0x44: {  	[sflag:s16] =	ssyncset.done $0x0  }
0x45: {  	[sflag:s16] =	ssyncadd.s32 $0xFFFFB1E0  }
0x46: {  	[bflag:$0x0] =	sbarrier.arrive $0xFFFF  }
0x47: {  	[tilespmem:s21], [sflag:$0x1] =	stream.indirect.gather [hbm4b:s11+s20], $0x40, s4, s20, $0xb8;
	[tilespmem:$0x1DA00] =	vst v63  }
0x48: {  	_ = 	snop  }
0x49: {  	[tilespmem:s22], [sflag:$0x2] =	stream.indirect.gather [hbm4b:s11+s20], $0x40, s20, s20, $0xb8;
	[tilespmem:$0x1DA00] =	vst v63  }
0x4a: {  	s19 =	simm.s32 $0x100  }
0x4b: {  	[tilespmem:s24], [sflag:$0x3] =	stream.indirect.gather [hbm4b:s11+s20], $0x40, s19, s20, $0xb8;
	[tilespmem:$0x1DA00] =	vst v63  }
0x4c: {  	s25 =	simm.s32 $0x180  }
0x4d: {  	[tilespmem:s26], [sflag:$0x4] =	stream.indirect.gather [hbm4b:s11+s20], $0x40, s25, s20, $0xb8;
	[tilespmem:$0x1DA00] =	vst v63  }
0x4e: {  	s0 =	simm.s32 $0x0;
	s19 =	simm.s32 $0x0;
	s25 =	simm.s32 $0x3  }
.LBB2_2:
0x4f: {  	_ =	swait.ge [sflag:s28], $0x2000;
	s5 =	sshra.s32 s0, $0x2  }
0x50: {  	p2 =	sgt.u32 s19, $0x13;
	s9 =	simm.s32 $0x1;
	[sflag:s28] =	ssyncset.done $0x0  }
0x51: {  	s6 =	simm.s32 $0x1;
	s8 =	sadd.s32 $0x4E20, s5;
	[sflag:s28] =	ssyncadd.s32 $0xFFFFE000  }
0x52: {  	[spmem:s2] =	stream.indirect.scatter.add.f32 [tilespmem:s21], [sflag:$0x5], $0x40, s8, s20, $0xb8;
	[tilespmem:$0x1DA00] =	vst v63  }
0x53: {  	s9 =	simm.s32 @!p2 $0x0;
	s6 =	simm.s32 @!p0 $0x0;
	_ =	swait.ge [sflag:s16], $0x2000  }
0x54: {  	p3 =	seq.s32 s6, s9;
	[sflag:s16] =	ssyncset.done $0x0  }
0x55: {  	s9 =	simm.s32 @!p3 $0x80;
	s10 =	simm.s32 @!p3 $0x12440;
	[sflag:s16] =	ssyncadd.s32 $0xFFFFE000  }
0x56: {  	[spmem:s3] =	stream.indirect.scatter.add.f32 @!p3 [tilespmem:s10], [sflag:$0x5], $0x8, s8, s9, $0xb8;
	[tilespmem:$0x1DA00] =	vst v63  }
0x57: {  	s8 =	simm.s32 @!p3 $0x5  }
0x58: {  	_ =	swait.ge @!p3 [sflag:s8], $0x400  }
0x59: {  	p1 =	seq.s32 s0, $0x13000;
	[sflag:s8] =	ssyncset.done @!p3 $0x0  }
0x5a: {  	[sflag:s8] =	ssyncadd.s32 @!p3 $0xFFFFFC00;
	s8 =	sshra.s32 @!p1 s0, $0x2  }
0x5b: {  	s12 =	simm.s32 @!p1 $0x9C40;
	s10 =	simm.s32 @!p1 $0x80;
	s9 =	sadd.s32 @!p1 $0x200, s8  }
0x5c: {  	[tilespmem:s12], [sflag:$0x1] =	stream.indirect.gather @!p1 [hbm4b:s11+s10], $0x40, s9, s10, $0xb8;
	[tilespmem:$0x1DA00] =	vst v63  }
0x5d: {  	_ =	swait.ge [sflag:s29], $0x2000  }
0x5e: {  	[sflag:s29] =	ssyncset.done $0x0  }
0x5f: {  	s9 =	sadd.s32 $0x4EA0, s5;
	[sflag:s29] =	ssyncadd.s32 $0xFFFFE000  }
0x60: {  	[spmem:s2] =	stream.indirect.scatter.add.f32 [tilespmem:s22], [sflag:$0x5], $0x40, s9, s20, $0xb8;
	[tilespmem:$0x1DA00] =	vst v63  }
0x61: {  	p3 =	por !p2, !p2;
	_ =	swait.ge [sflag:s16], $0x2000  }
0x62: {  	p3 =	por @!p0 p2, p2;
	[sflag:s16] =	ssyncset.done $0x0  }
0x63: {  	s12 =	simm.s32 @p3 $0x80;
	s13 =	simm.s32 @p3 $0x12440;
	[sflag:s16] =	ssyncadd.s32 $0xFFFFE000  }
0x64: {  	[spmem:s3] =	stream.indirect.scatter.add.f32 @p3 [tilespmem:s13], [sflag:$0x5], $0x8, s9, s12, $0xb8;
	[tilespmem:$0x1DA00] =	vst v63  }
0x65: {  	s9 =	simm.s32 @p3 $0x5  }
0x66: {  	_ =	swait.ge @p3 [sflag:s9], $0x400  }
0x67: {  	[sflag:s9] =	ssyncset.done @p3 $0x0  }
0x68: {  	s12 =	simm.s32 @!p1 $0xBC40;
	[sflag:s9] =	ssyncadd.s32 @p3 $0xFFFFFC00;
	s9 =	sadd.s32 @!p1 $0x280, s8  }
0x69: {  	[tilespmem:s12], [sflag:$0x2] =	stream.indirect.gather @!p1 [hbm4b:s11+s10], $0x40, s9, s10, $0xb8;
	[tilespmem:$0x1DA00] =	vst v63  }
0x6a: {  	s13 =	sadd.s32 $0xFFFFFFFF, s25;
	_ =	swait.ge [sflag:s30], $0x2000  }
0x6b: {  	p2 =	sgt.u32 s13, $0x4D;
	[sflag:s30] =	ssyncset.done $0x0  }
0x6c: {  	s12 =	sadd.s32 $0x4F20, s5;
	s9 =	simm.s32 $0x1;
	[sflag:s30] =	ssyncadd.s32 $0xFFFFE000  }
0x6d: {  	[spmem:s2] =	stream.indirect.scatter.add.f32 [tilespmem:s24], [sflag:$0x5], $0x40, s12, s20, $0xb8;
	[tilespmem:$0x1DA00] =	vst v63  }
0x6e: {  	s9 =	simm.s32 @!p2 $0x0;
	_ =	swait.ge [sflag:s16], $0x2000  }
0x6f: {  	p2 =	seq.s32 s6, s9;
	[sflag:s16] =	ssyncset.done $0x0  }
0x70: {  	s9 =	simm.s32 @!p2 $0x80;
	s13 =	simm.s32 @!p2 $0x12440;
	[sflag:s16] =	ssyncadd.s32 $0xFFFFE000  }
0x71: {  	[spmem:s3] =	stream.indirect.scatter.add.f32 @!p2 [tilespmem:s13], [sflag:$0x5], $0x8, s12, s9, $0xb8;
	[tilespmem:$0x1DA00] =	vst v63  }
0x72: {  	s9 =	simm.s32 @!p2 $0x5  }
0x73: {  	_ =	swait.ge @!p2 [sflag:s9], $0x400  }
0x74: {  	[sflag:s9] =	ssyncset.done @!p2 $0x0  }
0x75: {  	s8 =	sadd.s32 @!p1 $0x300, s8;
	[sflag:s9] =	ssyncadd.s32 @!p2 $0xFFFFFC00;
	s9 =	simm.s32 @!p1 $0xDC40  }
0x76: {  	[tilespmem:s9], [sflag:$0x3] =	stream.indirect.gather @!p1 [hbm4b:s11+s10], $0x40, s8, s10, $0xb8;
	[tilespmem:$0x1DA00] =	vst v63  }
0x77: {  	_ =	swait.ge [sflag:s31], $0x2000  }
0x78: {  	p2 =	sgt.u32 s25, $0x4D;
	[sflag:s31] =	ssyncset.done $0x0  }
0x79: {  	s8 =	sadd.s32 $0x4FA0, s5;
	s9 =	simm.s32 $0x1;
	[sflag:s31] =	ssyncadd.s32 $0xFFFFE000  }
0x7a: {  	[spmem:s2] =	stream.indirect.scatter.add.f32 [tilespmem:s26], [sflag:$0x5], $0x40, s8, s20, $0xb8;
	[tilespmem:$0x1DA00] =	vst v63  }
0x7b: {  	s9 =	simm.s32 @!p2 $0x0;
	_ =	swait.ge [sflag:s16], $0x2000  }
0x7c: {  	p2 =	seq.s32 s6, s9;
	[sflag:s16] =	ssyncset.done $0x0  }
0x7d: {  	s6 =	simm.s32 @!p2 $0x80;
	s9 =	simm.s32 @!p2 $0x12440;
	[sflag:s16] =	ssyncadd.s32 $0xFFFFE000  }
0x7e: {  	[spmem:s3] =	stream.indirect.scatter.add.f32 @!p2 [tilespmem:s9], [sflag:$0x5], $0x8, s8, s6, $0xb8;
	[tilespmem:$0x1DA00] =	vst v63  }
.Ltmp2:
0x7f: {  	_ = 	snop;
	(pc) =	sbr.rel @p1 .LBB2_4-.Ltmp2, $4  }
0x80: {  	s6 =	simm.s32 @!p2 $0x5  }
0x81: {  	_ =	swait.ge @!p2 [sflag:s6], $0x400  }
0x82: {  	[sflag:s6] =	ssyncset.done @!p2 $0x0  }
0x83: {  	[sflag:s6] =	ssyncadd.s32 @!p2 $0xFFFFFC00  }
.Ltmp3:
0x84: {  	(pc) =	sbr.rel .LBB2_2-.Ltmp3, $4  }
0x85: {  	_ = 	snop  }
0x86: {  	s5 =	sadd.s32 $0x380, s5  }
0x87: {  	s19 =	sadd.s32 $0x1, s19;
	s0 =	sadd.s32 $0x800, s0;
	s25 =	sadd.s32 $0x4, s25  }
0x88: {  	[tilespmem:s26], [sflag:$0x4] =	stream.indirect.gather [hbm4b:s11+s20], $0x40, s5, s20, $0xb8;
	[tilespmem:$0x1DA00] =	vst v63  }
.LBB2_5:
0x89: {  	_ =	sfence.sel $0x180000  }
0x8a: {  	[bflag:$0x0] =	sbarrier.arrive $0xFFFF  }
0x8b: {  	_ =	strace $0x90000047  }
0x8c: {  	s0 =	stileid.u32;
	[bflag:$0x2] =	sbarrier.arrive $0xFFFF  }
0x8d: {  	p0 =	sne.s32 s0, $0x0;
	s0 =	rddreg [dreg:$0x4]  }
0x8e: {  	s0 =	sadd.s32 @!p0 $0x100000, s0  }
0x8f: {  	[sflag:s0] =	ssyncadd.tile.s32 @!p0 $0x1;
	_ =	shalt  }
.Lfunc_end2:
_tile_overlayer_lowered:
.L_overlay_start_2:
0x90: {  	(tag) =	ssettag $0x2  }
0x91: {  	s0 =	rddreg [dreg:$0x0];
	s2 =	stileid.u32  }
0x92: {  	s1 =	rddreg [dreg:$0x1];
	p0 =	sne.s32 s2, $0x0  }
0x93: {  	s3 =	rddreg [dreg:$0x2];
	[bflag:$0x3] =	sbarrier.arrive $0xFFFF;
	s2 =	simm.s32 @!p0 $0x1C05  }
0x94: {  	[timem:s3], [sflag:s2] =	dma.local @!p0 [hbm:s0], s1  }
0x95: {  	s0 =	simm.s32 @!p0 $0x5  }
0x96: {  	_ =	swait.ge @!p0 [sflag:s0], s1  }
0x97: {  	s1 =	ssub.s32 @!p0 $0x0, s1;
	[sflag:s0] =	ssyncset.done @!p0 $0x0  }
0x98: {  	[sflag:s0] =	ssyncadd.s32 @!p0 s1  }
0x99: {  	[bflag:$0x3] =	sbarrier.arrive $0xFFFF  }
0x9a: {  	_ =	shalt  }

// kernel: kernel.9.cloned.1.call-start
scs
__scs_entry_jumppad:
0x0: {  	(pc) =	sbr.rel $0x88, $3  }
0x1: {  	(tag) =	ssettag $0x0;
	lr =	simm.s32 $0x1  }
0x2: {  	[smem:$0x3F99] =	sst lr;
	_ =	strace $0xD0000000  }
0x3: {  	_ = 	snop  }
0x4: {  	_ = 	snop  }
0x5: {  	_ = 	snop  }
0x6: {  	_ = 	snop  }
0x7: {  	_ = 	snop  }
__scs_overlays_trampoline_lowered:
0x8: {  	[smem:$0x3FA8] =	sst s0  }
0x9: {  	[smem:$0x3FA9] =	sst s1  }
0xa: {  	[smem:$0x3FAA] =	sst s2  }
0xb: {  	[smem:$0x3FAB] =	sst s3  }
0xc: {  	[smem:$0x3FAC] =	sst s4  }
0xd: {  	[smem:$0x3FAD] =	sst s5  }
0xe: {  	[smem:$0x3FAE] =	sst s6  }
0xf: {  	[smem:$0x3FAF] =	sst s7  }
0x10: {  	[smem:$0x3FB0] =	sst s8  }
0x11: {  	[smem:$0x3FB1] =	sst s9;
	s0 =	simm.s32 @!p0 $0x0  }
0x12: {  	s1 =	sld [smem:$0x3F97];
	s0 =	simm.s32 @p0 $0x1  }
0x13: {  	[smem:$0x3FB2] =	sst s0;
	s0 =	simm.s32 @!p1 $0x0  }
0x14: {  	s2 =	sld [smem:$0x3F96];
	s0 =	simm.s32 @p1 $0x1  }
0x15: {  	[smem:$0x3FB3] =	sst s0;
	s0 =	simm.s32 @!p2 $0x0  }
0x16: {  	s3 =	sld [smem:$0x3FDB];
	s0 =	simm.s32 @p2 $0x1  }
0x17: {  	s4 =	simm.s32 $0x1BF5;
	[smem:$0x3FB5] =	sst s0  }
0x18: {  	s0 =	sld [smem:$0x3F98];
	_ =	swait.ge [sflag:s4], $0x0  }
0x19: {  	s7 =	sld [smem:$0x3F99]  }
0x1a: {  	s8 =	sadd.s32 $0xFFFFE003, lr  }
0x1b: {  	s9 =	sadd.s32 $0xFFFFFEF7, lr;
	s5 =	simm.s32 $0xFFFFFFFF;
	p2 =	slt.u32 s8, $0xFFFFF086  }
0x1c: {  	p1 =	slt.u32 s9, $0xF7A;
	s5 =	simm.s32 @!p2 $0x0  }
0x1d: {  	s5 =	simm.s32 @p1 $0x1;
	p0 =	seq.s32 s7, s2  }
0x1e: {  	s7 =	smul.u32 @!p0 $0xF7A, s2;
	p2 =	seq.s32 @!p0 s5, $0x0  }
0x1f: {  	s9 =	smul.u32 $0xF7A, s1;
	s8 =	simm.s32 @!p0 $0x1BF5;
	p2 =	por !p2, p0  }
0x20: {  	[sflag:s8] =	ssyncset.s32 @!p0 $0xFFFFF086;
	s6 =	sadd.s32 @!p0 s3, s7;
	s7 =	simm.s32 @!p0 $0x108  }
0x21: {  	s3 =	sadd.s32 s3, s9;
	s6 =	sadd.s32 @!p0 $0x88, s6;
	s7 =	simm.s32 @p2 $0x1082  }
0x22: {  	[simem:s7], [sflag:s8] =	dma.local @!p0 [hbm:s6], $0xF7A  }
0x23: {  	s9 =	sor.u32 $0xD0000000, s2;
	s6 =	simm.s32 $0x108;
	_ =	swait.ge @!p0 [sflag:s8], $0x0  }
0x24: {  	s3 =	sadd.s32 $0x88, s3;
	s6 =	simm.s32 @!p1 $0x1082;
	[sflag:s4] =	ssyncset.s32 $0xFFFFF086  }
0x25: {  	[simem:s6], [sflag:s4] =	dma.local [hbm:s3], $0xF7A  }
0x26: {  	[smem:$0x3F99] =	sst s1;
	(tag) =	ssettag s2;
	_ =	strace s9  }
0x27: {  	s1 =	sld [smem:$0x3FA9]  }
0x28: {  	s2 =	sld [smem:$0x3FAA]  }
0x29: {  	s4 =	sld [smem:$0x3FAC]  }
0x2a: {  	p0 =	seq.s32 s5, $0x0;
	s5 =	sld [smem:$0x3FAD]  }
0x2b: {  	s6 =	sld [smem:$0x3FAE]  }
0x2c: {  	s7 =	sld [smem:$0x3FAF]  }
0x2d: {  	s3 =	simm.s32 $0x108;
	s8 =	sld [smem:$0x3FB0]  }
0x2e: {  	s3 =	simm.s32 @!p0 $0x1082;
	s9 =	sld [smem:$0x3FB1]  }
0x2f: {  	lr =	sadd.s32 s0, s3;
	s0 =	sld [smem:$0x3FA8]  }
0x30: {  	s3 =	sld [smem:$0x3FAB]  }
0x31: {  	[smem:$0x3FB4] =	sst s10  }
0x32: {  	s10 =	sld [smem:$0x3FB2];
	_ =	sdelay $0x3  }
0x33: {  	p0 =	seq.s32 s10, $0x1;
	s10 =	sld [smem:$0x3FB4];
	_ =	sdelay $0x3  }
0x34: {  	[smem:$0x3FB4] =	sst s10  }
0x35: {  	s10 =	sld [smem:$0x3FB3];
	_ =	sdelay $0x3  }
0x36: {  	p1 =	seq.s32 s10, $0x1;
	s10 =	sld [smem:$0x3FB4];
	_ =	sdelay $0x3  }
0x37: {  	[smem:$0x3FB4] =	sst s10  }
0x38: {  	s10 =	sld [smem:$0x3FB5]  }
0x39: {  	_ = 	snop;
	(pc) =	sbr.ind lr, $3  }
0x3a: {  	_ = 	snop  }
0x3b: {  	_ = 	snop  }
0x3c: {  	p2 =	seq.s32 s10, $0x1;
	s10 =	sld [smem:$0x3FB4]  }
0x3d: {  	_ =	shalt  }
0x3e: {  	_ =	shalt  }
0x3f: {  	_ =	shalt  }
0x40: {  	_ =	shalt  }
0x41: {  	_ =	shalt  }
0x42: {  	_ =	shalt  }
0x43: {  	_ =	shalt  }
0x44: {  	_ =	shalt  }
0x45: {  	_ =	shalt  }
0x46: {  	_ =	shalt  }
0x47: {  	_ =	shalt  }
0x48: {  	_ =	shalt  }
0x49: {  	_ =	shalt  }
0x4a: {  	_ =	shalt  }
0x4b: {  	_ =	shalt  }
0x4c: {  	_ =	shalt  }
0x4d: {  	_ =	shalt  }
0x4e: {  	_ =	shalt  }
0x4f: {  	_ =	shalt  }
0x50: {  	_ =	shalt  }
0x51: {  	_ =	shalt  }
0x52: {  	_ =	shalt  }
0x53: {  	_ =	shalt  }
0x54: {  	_ =	shalt  }
0x55: {  	_ =	shalt  }
0x56: {  	_ =	shalt  }
0x57: {  	_ =	shalt  }
0x58: {  	_ =	shalt  }
0x59: {  	_ =	shalt  }
0x5a: {  	_ =	shalt  }
0x5b: {  	_ =	shalt  }
0x5c: {  	_ =	shalt  }
0x5d: {  	_ =	shalt  }
0x5e: {  	_ =	shalt  }
0x5f: {  	_ =	shalt  }
0x60: {  	_ =	shalt  }
0x61: {  	_ =	shalt  }
0x62: {  	_ =	shalt  }
0x63: {  	_ =	shalt  }
0x64: {  	_ =	shalt  }
0x65: {  	_ =	shalt  }
0x66: {  	_ =	shalt  }
0x67: {  	_ =	shalt  }
0x68: {  	_ =	shalt  }
0x69: {  	_ =	shalt  }
0x6a: {  	_ =	shalt  }
0x6b: {  	_ =	shalt  }
0x6c: {  	_ =	shalt  }
0x6d: {  	_ =	shalt  }
0x6e: {  	_ =	shalt  }
0x6f: {  	_ =	shalt  }
0x70: {  	_ =	shalt  }
0x71: {  	_ =	shalt  }
0x72: {  	_ =	shalt  }
0x73: {  	_ =	shalt  }
0x74: {  	_ =	shalt  }
0x75: {  	_ =	shalt  }
0x76: {  	_ =	shalt  }
0x77: {  	_ =	shalt  }
0x78: {  	_ =	shalt  }
0x79: {  	_ =	shalt  }
0x7a: {  	_ =	shalt  }
0x7b: {  	_ =	shalt  }
0x7c: {  	_ =	shalt  }
0x7d: {  	_ =	shalt  }
0x7e: {  	_ =	shalt  }
0x7f: {  	_ =	shalt  }
0x80: {  	_ =	shalt  }
0x81: {  	_ =	shalt  }
0x82: {  	_ =	shalt  }
0x83: {  	_ =	shalt  }
0x84: {  	_ =	shalt  }
0x85: {  	_ =	shalt  }
0x86: {  	_ =	shalt  }
0x87: {  	_ =	shalt  }
.Lfunc_end0:
.L_simem_size_0:
called_computation.1_lowered:
.L_overlay_start_0:
0x88: {  	s2 =	sld [smem:$0x3FD9]  }
0x89: {  	s3 =	sld [smem:$0x3FFE];
	_ =	sdelay $0x1  }
0x8a: {  	s1 =	srdreg.scid  }
0x8b: {  	s0 =	sand.u32 $0x1, s1  }
0x8c: {  	s17 =	sshll.u32 s0, $0xA;
	s2 =	sadd.s32 s3, s2  }
0x8d: {  	s2 =	sadd.s32 s2, s17  }
0x8e: {  	[smem:$0x3FC0] =	sst s2  }
0x8f: {  	_ = 	snop  }
0x90: {  	s2 =	sld [smem:$0x3FD0];
	(tm) =	ssettm $0x1  }
0x91: {  	s18 =	sld [smem:$0x3FFB];
	_ =	sdelay $0x3  }
0x92: {  	_ =	strace s18  }
0x93: {  	s3 =	sld [smem:$0x3FFC];
	_ =	sdelay $0x3  }
0x94: {  	_ =	strace s3  }
0x95: {  	s3 =	sld [smem:$0x3FFD];
	_ =	sdelay $0x3  }
0x96: {  	_ =	strace s3  }
0x97: {  	_ =	strace $0x8FFFFFFF  }
0x98: {  	s19 =	sld [smem:$0x3FDB];
	_ =	sdelay $0x1  }
0x99: {  	s4 =	simm.s32 $_scs_section_size  }
0x9a: {  	s5 =	simm.s32 $_size__tile_overlayer_lowered;
	s6 =	simm.s32 $_tile_overlayer_lowered  }
0x9b: {  	s22 =	simm.s32 $0x1BFF;
	s21 =	sshll.u32 s6, $0x1;
	s3 =	sadd.s32 s4, s19  }
0x9c: {  	s7 =	simm.s32 $0x0;
	s20 =	sshll.u32 s5, $0x1;
	s5 =	sadd.s32 s21, s3  }
0x9d: {  	[timem:s7], [sflag:s22] =	dma.local [hbm:s5], s20  }
0x9e: {  	_ =	swait.ge [sflag:s22], s20  }
0x9f: {  	s4 =	ssub.s32 $0x0, s20;
	[sflag:s22] =	ssyncset.done $0x0  }
0xa0: {  	[sflag:s22] =	ssyncadd.s32 s4;
	_ =	sdelay $0x1  }
0xa1: {  	s23 =	simm.s32 $0x1B8B  }
0xa2: {  	_ =	swait.ge [sflag:s23], $0x1  }
0xa3: {  	[sflag:s23] =	ssyncset.done $0x0  }
0xa4: {  	s25 =	simm.s32 $0x1B8E;
	s24 =	sld [smem:$0x3FFE];
	[sflag:s23] =	ssyncadd.s32 $0xFFFFFFFF  }
0xa5: {  	s26 =	simm.s32 $execute0_lowered;
	[smem:$0x3FD2] =	sst s25  }
0xa6: {  	s5 =	sshll.u32 s26, $0x1;
	_ =	strace $0x80000049;
	[dreg:$0x1] =	wrdreg $0xFFFFFFFF  }
0xa7: {  	s28 =	simm.s32 $_size_execute0_lowered;
	s3 =	sadd.s32 s3, s5;
	[dreg:$0x0] =	wrdreg $0x0  }
0xa8: {  	s5 =	sshll.u32 s28, $0x1;
	[dreg:$0x2] =	wrdreg s3  }
0xa9: {  	[dreg:$0x3] =	wrdreg s5  }
0xaa: {  	[dreg:$0x4] =	wrdreg $0xC0  }
0xab: {  	_ =	task [dreg:s7], $0x5FFFF  }
0xac: {  	[dreg:$0x1] =	wrdreg $0xFFFFFFFF  }
0xad: {  	[dreg:$0x0] =	wrdreg $0x60  }
0xae: {  	[dreg:$0x2] =	wrdreg s24  }
0xaf: {  	[dreg:$0x3] =	wrdreg s2  }
0xb0: {  	[dreg:$0x4] =	wrdreg $0xE0400  }
0xb1: {  	[dreg:$0x5] =	wrdreg $0x9  }
0xb2: {  	_ =	task.clear_ibuf [dreg:s7], $0x6FFFF;
	_ =	strace $0x90000049  }
0xb3: {  	s29 =	simm.s32 $0x9;
	_ =	strace $0x8000004B  }
0xb4: {  	_ =	swait.ge [sflag:s29], $0x1  }
0xb5: {  	[sflag:s29] =	ssyncadd.s32 $0xFFFFFFFF  }
0xb6: {  	_ =	strace $0x9000004B  }
0xb7: {  	_ =	sfence  }
0xb8: {  	s30 =	sld [smem:$0x0];
	_ =	sdelay $0x2  }
0xb9: {  	s31 =	sshll.u32 s1, $0xD;
	s1 =	sshrl.u32 s1, $0x2  }
0xba: {  	s3 =	sand.u32 $0x4000, s31;
	s1 =	sadd.s32 s1, s30  }
0xbb: {  	s0 =	sor.u32 s3, s0;
	s1 =	sshll.u32 s1, $0x11  }
0xbc: {  	s0 =	sor.u32 s1, s0  }
0xbd: {  	s0 =	sadd.s32 $0x8F2B, s0  }
0xbe: {  	[sflag:s0] =	ssyncadd.remote.s32 $0x1  }
0xbf: {  	_ =	sfence.sel $0xFFFF  }
0xc0: {  	[dreg:$0x0] =	wrdreg $0xFFFFFFFF;
	(pc) =	sbr.abs _section_cstart, $3  }
0xc1: {  	[dreg:$0x1] =	wrdreg $0xFFFFFFFF  }
0xc2: {  	_ =	task.clear_ibuf [dreg:s7], $0x2FFFF;
	_ =	strace $0x9FFFFFFF  }
0xc3: {  	(tm) =	ssettm $0x7FFFFFFF  }
tec
execute0_lowered:
.L_overlay_start_1:
0x0: {  	(tag) =	ssettag $0x1  }
0x1: {  	s0 =	rddreg [dreg:$0x0]  }
0x2: {  	s1 =	rddreg [dreg:$0x1]  }
0x3: {  	s2 =	rddreg [dreg:$0x2]  }
0x4: {  	s4 =	srdreg.scid;
	s13 =	stileid.u32;
	s3 =	simm.s32 $0x0  }
0x5: {  	s14 =	simm.s32 $0x80;
	s15 =	simm.s32 $0x9C40;
	s16 =	simm.s32 $0xAC40  }
0x6: {  	s18 =	simm.s32 $0xBC40;
	s20 =	simm.s32 $0xCC40;
	s21 =	simm.s32 $0x1  }
0x7: {  	s22 =	simm.s32 $0x2;
	s28 =	simm.s32 $0x9B20;
	s29 =	simm.s32 $0x9BA0  }
0x8: {  	s30 =	simm.s32 $0x20;
	s31 =	simm.s32 $0x4E00;
	s5 =	smul.u32 $0x4E20, s13  }
0x9: {  	s4 =	sand.u32 $0x1, s4;
	[smem:$0x7FF] =	sst s3;
	s7 =	smul.u32 $0x4F00, s13  }
0xa: {  	s25 =	sshll.u32 s13, $0x6;
	s13 =	simm.s32 $0x0;
	s6 =	smul.u32 $0x9C40, s4  }
0xb: {  	_ =	strace $0x8000004A;
	s23 =	ssub.s32 $0x2, s4;
	s11 =	smul.u32 $0x4F000, s4  }
0xc: {  	s5 =	sshrl.u32 s5, $0x3;
	s24 =	sshrl.u32 s7, $0x3;
	s10 =	sshrl.u32 s23, $0x1  }
0xd: {  	s12 =	sadd.s32 s7, s2;
	s8 =	sadd.s32 s6, s0;
	s9 =	sadd.s32 s5, s0  }
0xe: {  	s0 =	sadd.s32 s24, s0;
	s10 =	ssub.s32 s23, s10;
	s7 =	sadd.s32 s7, s11  }
0xf: {  	s5 =	sor.u32 $0x1C05, s25;
	s11 =	sshrl.u32 s12, $0x3;
	s12 =	simm.s32 $0x5  }
0x10: {  	s23 =	simm.s32 $0x3;
	s24 =	simm.s32 $0x4;
	s4 =	sadd.s32 $0x16200, s0  }
0x11: {  	s6 =	sadd.s32 $0x29A00, s9;
	s26 =	sshrl.u32 s7, $0x3;
	s7 =	sadd.s32 $0x33640, s9  }
0x12: {  	s8 =	sadd.s32 $0x2800, s8;
	s10 =	smax.u32 s10, $0x1;
	s0 =	simm.s32 $0xDC40  }
0x13: {  	s9 =	sadd.s32 s1, s26;
	s26 =	simm.s32 $0x9AA0;
	s1 =	simm.s32 $0x9C20  }
.LBB2_1:
0x14: {  	[spmem:s11], [sflag:s5] =	dma.local [hbm:s4], $0x9E0  }
0x15: {  	_ =	swait.ge [sflag:s12], $0x9E0  }
0x16: {  	[sflag:s12] =	ssyncset.done $0x0  }
0x17: {  	[sflag:s12] =	ssyncadd.s32 $0xFFFFF620  }
0x18: {  	[tilespmem:s3], [sflag:$0x5] =	stream.linear.gather [hbm4b:s6+s3], $0x4E20, $0x38;
	[tilespmem:$0x12F40] =	vst v63  }
0x19: {  	_ =	swait.ge [sflag:s12], $0x4E20  }
0x1a: {  	[sflag:s12] =	ssyncset.done $0x0  }
0x1b: {  	s17 =	simm.s32 $0x4E20;
	[sflag:s12] =	ssyncadd.s32 $0xFFFFB1E0  }
0x1c: {  	[tilespmem:s17], [sflag:$0x5] =	stream.linear.gather [hbm4b:s7+s3], $0x4E20, $0x38;
	[tilespmem:$0x12F40] =	vst v63  }
0x1d: {  	_ =	swait.ge [sflag:s12], $0x4E20  }
0x1e: {  	[sflag:s12] =	ssyncset.done $0x0  }
0x1f: {  	[sflag:s12] =	ssyncadd.s32 $0xFFFFB1E0  }
0x20: {  	[bflag:$0x0] =	sbarrier.arrive $0xFFFF  }
0x21: {  	[tilespmem:s15], [sflag:$0x1] =	stream.indirect.gather [hbm4b:s8+s14], $0x20, s3, s14, $0xb8;
	[tilespmem:$0x12F40] =	vst v63  }
0x22: {  	_ = 	snop  }
0x23: {  	[tilespmem:s16], [sflag:$0x2] =	stream.indirect.gather [hbm4b:s8+s14], $0x20, s14, s14, $0xb8;
	[tilespmem:$0x12F40] =	vst v63  }
0x24: {  	s25 =	simm.s32 $0x100  }
0x25: {  	[tilespmem:s18], [sflag:$0x3] =	stream.indirect.gather [hbm4b:s8+s14], $0x20, s25, s14, $0xb8;
	[tilespmem:$0x12F40] =	vst v63  }
0x26: {  	s19 =	simm.s32 $0x180  }
0x27: {  	[tilespmem:s20], [sflag:$0x4] =	stream.indirect.gather [hbm4b:s8+s14], $0x20, s19, s14, $0xb8;
	[tilespmem:$0x12F40] =	vst v63  }
0x28: {  	_ =	swait.ge [sflag:s21], $0x1000  }
0x29: {  	[sflag:s21] =	ssyncset.done $0x0  }
0x2a: {  	s25 =	simm.s32 $0x4E20;
	[sflag:s21] =	ssyncadd.s32 $0xFFFFF000  }
0x2b: {  	[spmem:s2] =	stream.indirect.scatter.add.f32 [tilespmem:s15], [sflag:$0x5], $0x20, s25, s14, $0xb8;
	[tilespmem:$0x12F40] =	vst v63  }
0x2c: {  	_ =	swait.ge [sflag:s12], $0x1000  }
0x2d: {  	[sflag:s12] =	ssyncset.done $0x0  }
0x2e: {  	s19 =	simm.s32 $0x200;
	[sflag:s12] =	ssyncadd.s32 $0xFFFFF000  }
0x2f: {  	[tilespmem:s15], [sflag:$0x1] =	stream.indirect.gather [hbm4b:s8+s14], $0x20, s19, s14, $0xb8;
	[tilespmem:$0x12F40] =	vst v63  }
0x30: {  	_ =	swait.ge [sflag:s22], $0x1000  }
0x31: {  	[sflag:s22] =	ssyncset.done $0x0  }
0x32: {  	s25 =	simm.s32 $0x4EA0;
	[sflag:s22] =	ssyncadd.s32 $0xFFFFF000  }
0x33: {  	[spmem:s2] =	stream.indirect.scatter.add.f32 [tilespmem:s16], [sflag:$0x5], $0x20, s25, s14, $0xb8;
	[tilespmem:$0x12F40] =	vst v63  }
0x34: {  	_ =	swait.ge [sflag:s12], $0x1000  }
0x35: {  	[sflag:s12] =	ssyncset.done $0x0  }
0x36: {  	s19 =	simm.s32 $0x280;
	[sflag:s12] =	ssyncadd.s32 $0xFFFFF000  }
0x37: {  	[tilespmem:s16], [sflag:$0x2] =	stream.indirect.gather [hbm4b:s8+s14], $0x20, s19, s14, $0xb8;
	[tilespmem:$0x12F40] =	vst v63  }
0x38: {  	_ =	swait.ge [sflag:s23], $0x1000  }
0x39: {  	[sflag:s23] =	ssyncset.done $0x0  }
0x3a: {  	s25 =	simm.s32 $0x4F20;
	[sflag:s23] =	ssyncadd.s32 $0xFFFFF000  }
0x3b: {  	[spmem:s2] =	stream.indirect.scatter.add.f32 [tilespmem:s18], [sflag:$0x5], $0x20, s25, s14, $0xb8;
	[tilespmem:$0x12F40] =	vst v63  }
0x3c: {  	_ =	swait.ge [sflag:s12], $0x1000  }
0x3d: {  	[sflag:s12] =	ssyncset.done $0x0  }
0x3e: {  	s19 =	simm.s32 $0x300;
	[sflag:s12] =	ssyncadd.s32 $0xFFFFF000  }
0x3f: {  	[tilespmem:s18], [sflag:$0x3] =	stream.indirect.gather [hbm4b:s8+s14], $0x20, s19, s14, $0xb8;
	[tilespmem:$0x12F40] =	vst v63  }
0x40: {  	_ =	swait.ge [sflag:s24], $0x1000  }
0x41: {  	[sflag:s24] =	ssyncset.done $0x0  }
0x42: {  	s25 =	simm.s32 $0x4FA0;
	[sflag:s24] =	ssyncadd.s32 $0xFFFFF000  }
0x43: {  	[spmem:s2] =	stream.indirect.scatter.add.f32 [tilespmem:s20], [sflag:$0x5], $0x20, s25, s14, $0xb8;
	[tilespmem:$0x12F40] =	vst v63  }
0x44: {  	_ =	swait.ge [sflag:s12], $0x1000  }
0x45: {  	[sflag:s12] =	ssyncset.done $0x0  }
0x46: {  	s17 =	simm.s32 $0x800;
	s19 =	simm.s32 $0x380;
	[sflag:s12] =	ssyncadd.s32 $0xFFFFF000  }
.LBB2_2:
0x47: {  	[tilespmem:s20], [sflag:$0x4] =	stream.indirect.gather [hbm4b:s8+s14], $0x20, s19, s14, $0xb8;
	[tilespmem:$0x12F40] =	vst v63  }
0x48: {  	s19 =	smov.u32 s17  }
0x49: {  	p0 =	sne.s32 s17, $0x12800;
	s17 =	sadd.s32 $0x800, s17;
	_ =	swait.ge [sflag:s21], $0x1000  }
0x4a: {  	s19 =	sshra.s32 s19, $0x2;
	[sflag:s21] =	ssyncset.done $0x0  }
0x4b: {  	s25 =	sadd.s32 $0x4E20, s19;
	[sflag:s21] =	ssyncadd.s32 $0xFFFFF000  }
0x4c: {  	[spmem:s2] =	stream.indirect.scatter.add.f32 [tilespmem:s15], [sflag:$0x5], $0x20, s25, s14, $0xb8;
	[tilespmem:$0x12F40] =	vst v63  }
0x4d: {  	_ =	swait.ge [sflag:s12], $0x1000  }
0x4e: {  	[sflag:s12] =	ssyncset.done $0x0  }
0x4f: {  	s25 =	sadd.s32 $0x200, s19;
	[sflag:s12] =	ssyncadd.s32 $0xFFFFF000  }
0x50: {  	[tilespmem:s15], [sflag:$0x1] =	stream.indirect.gather [hbm4b:s8+s14], $0x20, s25, s14, $0xb8;
	[tilespmem:$0x12F40] =	vst v63  }
0x51: {  	_ =	swait.ge [sflag:s22], $0x1000  }
0x52: {  	[sflag:s22] =	ssyncset.done $0x0  }
0x53: {  	s25 =	sadd.s32 $0x4EA0, s19;
	[sflag:s22] =	ssyncadd.s32 $0xFFFFF000  }
0x54: {  	[spmem:s2] =	stream.indirect.scatter.add.f32 [tilespmem:s16], [sflag:$0x5], $0x20, s25, s14, $0xb8;
	[tilespmem:$0x12F40] =	vst v63  }
0x55: {  	_ =	swait.ge [sflag:s12], $0x1000  }
0x56: {  	[sflag:s12] =	ssyncset.done $0x0  }
0x57: {  	s25 =	sadd.s32 $0x280, s19;
	[sflag:s12] =	ssyncadd.s32 $0xFFFFF000  }
0x58: {  	[tilespmem:s16], [sflag:$0x2] =	stream.indirect.gather [hbm4b:s8+s14], $0x20, s25, s14, $0xb8;
	[tilespmem:$0x12F40] =	vst v63  }
0x59: {  	_ =	swait.ge [sflag:s23], $0x1000  }
0x5a: {  	[sflag:s23] =	ssyncset.done $0x0  }
0x5b: {  	s25 =	sadd.s32 $0x4F20, s19;
	[sflag:s23] =	ssyncadd.s32 $0xFFFFF000  }
0x5c: {  	[spmem:s2] =	stream.indirect.scatter.add.f32 [tilespmem:s18], [sflag:$0x5], $0x20, s25, s14, $0xb8;
	[tilespmem:$0x12F40] =	vst v63  }
0x5d: {  	_ =	swait.ge [sflag:s12], $0x1000  }
0x5e: {  	[sflag:s12] =	ssyncset.done $0x0  }
0x5f: {  	s25 =	sadd.s32 $0x300, s19;
	[sflag:s12] =	ssyncadd.s32 $0xFFFFF000  }
0x60: {  	[tilespmem:s18], [sflag:$0x3] =	stream.indirect.gather [hbm4b:s8+s14], $0x20, s25, s14, $0xb8;
	[tilespmem:$0x12F40] =	vst v63  }
0x61: {  	_ =	swait.ge [sflag:s24], $0x1000  }
0x62: {  	[sflag:s24] =	ssyncset.done $0x0  }
.Ltmp0:
0x63: {  	s25 =	sadd.s32 $0x4FA0, s19;
	[sflag:s24] =	ssyncadd.s32 $0xFFFFF000;
	(pc) =	sbr.rel @p0 .LBB2_2-.Ltmp0, $4  }
0x64: {  	[spmem:s2] =	stream.indirect.scatter.add.f32 [tilespmem:s20], [sflag:$0x5], $0x20, s25, s14, $0xb8;
	[tilespmem:$0x12F40] =	vst v63  }
0x65: {  	_ =	swait.ge [sflag:s12], $0x1000  }
0x66: {  	[sflag:s12] =	ssyncset.done $0x0  }
0x67: {  	s19 =	sadd.s32 $0x380, s19;
	[sflag:s12] =	ssyncadd.s32 $0xFFFFF000  }
0x68: {  	[tilespmem:s20], [sflag:$0x4] =	stream.indirect.gather [hbm4b:s8+s14], $0x20, s19, s14, $0xb8;
	[tilespmem:$0x12F40] =	vst v63  }
0x69: {  	_ =	swait.ge [sflag:s21], $0x1000  }
0x6a: {  	[sflag:s21] =	ssyncset.done $0x0  }
0x6b: {  	s17 =	simm.s32 $0x9A20;
	[sflag:s21] =	ssyncadd.s32 $0xFFFFF000  }
0x6c: {  	[spmem:s2] =	stream.indirect.scatter.add.f32 [tilespmem:s15], [sflag:$0x5], $0x20, s17, s14, $0xb8;
	[tilespmem:$0x12F40] =	vst v63  }
0x6d: {  	_ =	swait.ge [sflag:s12], $0x1000  }
0x6e: {  	[sflag:s12] =	ssyncset.done $0x0  }
0x6f: {  	[sflag:s12] =	ssyncadd.s32 $0xFFFFF000  }
0x70: {  	_ =	swait.ge [sflag:s22], $0x1000  }
0x71: {  	[sflag:s22] =	ssyncset.done $0x0  }
0x72: {  	[sflag:s22] =	ssyncadd.s32 $0xFFFFF000  }
0x73: {  	[spmem:s2] =	stream.indirect.scatter.add.f32 [tilespmem:s16], [sflag:$0x5], $0x20, s26, s14, $0xb8;
	[tilespmem:$0x12F40] =	vst v63  }
0x74: {  	_ =	swait.ge [sflag:s12], $0x1000  }
0x75: {  	[sflag:s12] =	ssyncset.done $0x0  }
0x76: {  	[sflag:s12] =	ssyncadd.s32 $0xFFFFF000  }
0x77: {  	_ =	swait.ge [sflag:s23], $0x1000  }
0x78: {  	[sflag:s23] =	ssyncset.done $0x0  }
0x79: {  	[sflag:s23] =	ssyncadd.s32 $0xFFFFF000  }
0x7a: {  	[spmem:s2] =	stream.indirect.scatter.add.f32 [tilespmem:s18], [sflag:$0x5], $0x20, s28, s14, $0xb8;
	[tilespmem:$0x12F40] =	vst v63  }
0x7b: {  	_ =	swait.ge [sflag:s12], $0x1000  }
0x7c: {  	[sflag:s12] =	ssyncset.done $0x0  }
0x7d: {  	[sflag:s12] =	ssyncadd.s32 $0xFFFFF000  }
0x7e: {  	_ =	swait.ge [sflag:s24], $0x1000  }
0x7f: {  	[sflag:s24] =	ssyncset.done $0x0  }
0x80: {  	[sflag:s24] =	ssyncadd.s32 $0xFFFFF000  }
0x81: {  	[spmem:s2] =	stream.indirect.scatter.add.f32 [tilespmem:s20], [sflag:$0x5], $0x20, s29, s14, $0xb8;
	[tilespmem:$0x12F40] =	vst v63  }
0x82: {  	_ =	swait.ge [sflag:s12], $0x1000  }
0x83: {  	[sflag:s12] =	ssyncset.done $0x0  }
0x84: {  	[sflag:s12] =	ssyncadd.s32 $0xFFFFF000  }
0x85: {  	[tilespmem:s0], [sflag:$0x1] =	stream.indirect.gather [hbm4b:s8+s30], $0x20, s31, s30, $0xb8;
	[tilespmem:$0x12F40] =	vst v63  }
0x86: {  	_ =	swait.ge [sflag:s21], $0x400  }
0x87: {  	[sflag:s21] =	ssyncset.done $0x0  }
0x88: {  	[sflag:s21] =	ssyncadd.s32 $0xFFFFFC00  }
0x89: {  	[spmem:s2] =	stream.indirect.scatter.add.f32 [tilespmem:s0], [sflag:$0x5], $0x20, s1, s30, $0xb8;
	[tilespmem:$0x12F40] =	vst v63  }
0x8a: {  	_ =	swait.ge [sflag:s12], $0x400  }
0x8b: {  	s13 =	sadd.s32 $0x1, s13;
	[sflag:s12] =	ssyncset.done $0x0  }
0x8c: {  	p0 =	sne.s32 s13, s10;
	[sflag:s12] =	ssyncadd.s32 $0xFFFFFC00  }
.Ltmp1:
0x8d: {  	[bflag:$0x0] =	sbarrier.arrive $0xFFFF;
	(pc) =	sbr.rel @p0 .LBB2_1-.Ltmp1, $4  }
0x8e: {  	[hbm:s9], [sflag:s5] =	dma.local [spmem:s11], $0x9E0  }
0x8f: {  	_ =	swait.ge [sflag:s12], $0x9E0  }
0x90: {  	[sflag:s12] =	ssyncset.done $0x0  }
0x91: {  	[sflag:s12] =	ssyncadd.s32 $0xFFFFF620  }
0x92: {  	_ =	sfence.sel $0x180000  }
0x93: {  	[bflag:$0x0] =	sbarrier.arrive $0xFFFF  }
0x94: {  	_ =	strace $0x9000004A  }
0x95: {  	s0 =	stileid.u32;
	[bflag:$0x2] =	sbarrier.arrive $0xFFFF  }
0x96: {  	p0 =	sne.s32 s0, $0x0;
	s0 =	rddreg [dreg:$0x3]  }
0x97: {  	s0 =	sadd.s32 @!p0 $0x100000, s0  }
0x98: {  	[sflag:s0] =	ssyncadd.tile.s32 @!p0 $0x1;
	_ =	shalt  }
.Lfunc_end2:
_tile_overlayer_lowered:
.L_overlay_start_2:
0x99: {  	(tag) =	ssettag $0x2  }
0x9a: {  	s0 =	rddreg [dreg:$0x0];
	s2 =	stileid.u32  }
0x9b: {  	s1 =	rddreg [dreg:$0x1];
	p0 =	sne.s32 s2, $0x0  }
0x9c: {  	s3 =	rddreg [dreg:$0x2];
	[bflag:$0x3] =	sbarrier.arrive $0xFFFF;
	s2 =	simm.s32 @!p0 $0x1C05  }
0x9d: {  	[timem:s3], [sflag:s2] =	dma.local @!p0 [hbm:s0], s1  }
0x9e: {  	s0 =	simm.s32 @!p0 $0x5  }
0x9f: {  	_ =	swait.ge @!p0 [sflag:s0], s1  }
0xa0: {  	s1 =	ssub.s32 @!p0 $0x0, s1;
	[sflag:s0] =	ssyncset.done @!p0 $0x0  }
0xa1: {  	[sflag:s0] =	ssyncadd.s32 @!p0 s1  }
0xa2: {  	[bflag:$0x3] =	sbarrier.arrive $0xFFFF  }
0xa3: {  	_ =	shalt  }

</sc_bundles>
